<compile_context>
chip_gen: v7x
topology: tpu7x:2x2x1
jax: 0.10.2.dev20260603
libtpu: 0.0.44.dev20260713+nightly
codegen_flags: <defaults>
</compile_context>

<pallas_src>
import functools

import jax
import jax.numpy as jnp
from jax import lax
from jax.experimental import pallas as pl
from jax.experimental.pallas import tpu as pltpu
from jax.experimental.pallas import tpu_sc as plsc

HIDDEN = 1024
ROWS = 4 * 4096
PAIR = 1024
G0 = 30
G1 = 34
N0 = G0 * 16
N1 = G1 * 16


def _make_kernel():
    mesh = plsc.VectorSubcoreMesh(core_axis_name="c", subcore_axis_name="s")

    @functools.partial(
        pl.kernel,
        mesh=mesh,
        out_type=jax.ShapeDtypeStruct((ROWS, HIDDEN), jnp.float32),
        scratch_types=[
            pltpu.VMEM((N1,), jnp.int32),
            pltpu.VMEM((2, HIDDEN), jnp.float32),
            pltpu.SemaphoreType.DMA,
            pltpu.SemaphoreType.DMA,
            pltpu.SemaphoreType.DMA,
        ],
    )
    def body(ids_hbm, table_hbm, out_hbm, ids_v, table_v, sem, psem1, psem2):
        c = lax.axis_index("c")
        s = lax.axis_index("s")
        base = s * PAIR + c * N0
        h_tab = pltpu.async_copy(table_hbm, table_v, psem1)
        h_ids = pltpu.async_copy(ids_hbm.at[pl.ds(base, N1)], ids_v, psem2)
        h_tab.wait()
        h_ids.wait()
        n_groups = G0 + (G1 - G0) * c

        def group(g, carry):
            r0 = g * 16
            vec = ids_v[pl.ds(r0, 16)]
            for j in range(16):
                pltpu.async_copy(table_v.at[vec[j]],
                                 out_hbm.at[base + r0 + j], sem)
            return carry

        lax.fori_loop(0, n_groups, group, 0, unroll=1)
        pltpu.make_async_copy(
            out_hbm.at[pl.ds(base, N0)], out_hbm.at[pl.ds(base, N0)], sem
        ).wait()

        @pl.when(c == 1)
        def _():
            pltpu.make_async_copy(
                out_hbm.at[pl.ds(base, N1 - N0)],
                out_hbm.at[pl.ds(base, N1 - N0)],
                sem,
            ).wait()

    return body


_kernel = _make_kernel()


@jax.jit
def kernel(token_type_ids, table):
    b, s = token_type_ids.shape
    out = _kernel(token_type_ids.astype(jnp.int32).reshape(-1), table)
    return out.reshape(b, s, HIDDEN)

# --- scband reference (transcript-rebuilt; emitter-appended) ---
"""Pipeline reference for scband-segment-embedding-74646531604981 (READ-ONLY COPY).

The authoritative reference and input builder live on the scoring server;
editing this copy changes nothing except your own understanding.
"""

import jax, jax.numpy as jnp
import numpy as np

TYPE_VOCAB_SIZE = 2
HIDDEN_SIZE = 1024
BATCH = 4
SEQ_LEN = 4096

def setup_inputs(seed: int = 0) -> dict:
    key = jax.random.key(seed)
    k_ids, k_tab = jax.random.split(key)
    token_type_ids = jax.random.randint(k_ids, (BATCH, SEQ_LEN), 0, TYPE_VOCAB_SIZE, dtype=jnp.int64 if jax.config.read('jax_enable_x64') else jnp.int32)
    table = jax.random.normal(k_tab, (TYPE_VOCAB_SIZE, HIDDEN_SIZE), dtype=jnp.float32) * 0.02
    return {"token_type_ids": token_type_ids, "table": table}

def reference(token_type_ids, table):
    # nn.Embedding lookup: gather rows of the table by token_type_ids
    return jnp.take(table, token_type_ids, axis=0)

if __name__ == "__main__":
    import jax
    _d = setup_inputs()
    print(jax.jit(kernel)(*tuple(_d.values())))

</pallas_src>

<mosaic_0001>
#map = affine_map<(d0, d1) -> (0)>
#map1 = affine_map<(d0, d1) -> (0, 0)>
module attributes {stable_mosaic.version = 14 : i64} {
  func.func @body(%arg0: i32, %arg1: i32, %arg2: memref<16384xi32, #tpu.memory_space<hbm>>, %arg3: memref<2x1024xf32, #tpu.memory_space<hbm>>, %arg4: memref<16384x1024xf32, #tpu.memory_space<hbm>>, %arg5: memref<544xi32, #tpu.memory_space<vmem>>, %arg6: memref<2x1024xf32, #tpu.memory_space<vmem>>, %arg7: memref<!tpu.dma_semaphore, #tpu.memory_space<semaphore_mem>>, %arg8: memref<!tpu.dma_semaphore, #tpu.memory_space<semaphore_mem>>, %arg9: memref<!tpu.dma_semaphore, #tpu.memory_space<semaphore_mem>>) attributes {dimension_semantics = [#tpu.dimension_semantics<core_parallel>, #tpu.dimension_semantics<subcore_parallel>], iteration_bounds = array<i64: 2, 16>, scalar_prefetch = 0 : i64, scratch_operands = 5 : i64, tpu.core_type = #tpu.core_type<sc_vector_subcore>, window_params = [{transform_indices = #map}, {transform_indices = #map1}, {transform_indices = #map1}]} {
    %mul3A = arith.constant 1024 : i32
    %mul3A_0 = arith.muli %arg1, %mul3A : i32
    %mul3A_1 = arith.constant 480 : i32
    %mul3A_2 = arith.muli %arg0, %mul3A_1 : i32
    %add3A = arith.addi %mul3A_0, %mul3A_2 : i32
    tpu.enqueue_dma source(%arg3 : memref<2x1024xf32, #tpu.memory_space<hbm>>) target(%arg6 : memref<2x1024xf32, #tpu.memory_space<vmem>>) target_semaphore(%arg8 : memref<!tpu.dma_semaphore, #tpu.memory_space<semaphore_mem>>)
    %dma_start3A = tpu.memref_slice %arg2[%add3A] : memref<16384xi32, #tpu.memory_space<hbm>> -> memref<544xi32, #tpu.memory_space<hbm>>
    %dma_start3A_3 = tpu.memref_slice %arg2[%add3A] : memref<16384xi32, #tpu.memory_space<hbm>> -> memref<544xi32, #tpu.memory_space<hbm>>
    tpu.enqueue_dma source(%dma_start3A_3 : memref<544xi32, #tpu.memory_space<hbm>>) target(%arg5 : memref<544xi32, #tpu.memory_space<vmem>>) target_semaphore(%arg9 : memref<!tpu.dma_semaphore, #tpu.memory_space<semaphore_mem>>)
    tpu.wait_dma2 semaphore(%arg8 : memref<!tpu.dma_semaphore, #tpu.memory_space<semaphore_mem>>) src(%arg3 : memref<2x1024xf32, #tpu.memory_space<hbm>>) dst(%arg6 : memref<2x1024xf32, #tpu.memory_space<vmem>>)
    %dma_wait3A = tpu.memref_slice %arg2[%add3A] : memref<16384xi32, #tpu.memory_space<hbm>> -> memref<544xi32, #tpu.memory_space<hbm>>
    %dma_wait3A_4 = tpu.memref_slice %arg2[%add3A] : memref<16384xi32, #tpu.memory_space<hbm>> -> memref<544xi32, #tpu.memory_space<hbm>>
    tpu.wait_dma2 semaphore(%arg9 : memref<!tpu.dma_semaphore, #tpu.memory_space<semaphore_mem>>) src(%dma_wait3A_4 : memref<544xi32, #tpu.memory_space<hbm>>) dst(%arg5 : memref<544xi32, #tpu.memory_space<vmem>>)
    %mul3A_5 = arith.constant 4 : i32
    %mul3A_6 = arith.muli %mul3A_5, %arg0 : i32
    %add3A_7 = arith.constant 30 : i32
    %add3A_8 = arith.addi %add3A_7, %mul3A_6 : i32
    %while3A = arith.constant 0 : i32
    %while3A_9 = arith.constant 0 : i32
    %while3A_10 = arith.subi %add3A_8, %while3A_9 : i32
    %while3A_11 = arith.addi %while3A_9, %while3A_10 : i32
    %while3A_12 = arith.constant 1 : i32
    %while3A_13 = arith.divsi %while3A_10, %while3A_12 : i32
    %while3A_14 = arith.muli %while3A_13, %while3A_12 : i32
    %while3A_15 = arith.addi %while3A_9, %while3A_14 : i32
    %while3A_16 = arith.constant 1 : i32
    scf.for %while3A_24 = %while3A_9 to %while3A_15 step %while3A_16  : i32 {
      %mul3A_25 = arith.constant 16 : i32
      %mul3A_26 = arith.muli %while3A_24, %mul3A_25 : i32
      %get3A = arith.index_cast %mul3A_26 : i32 to index
      %get3A_27 = tpu.vector_load %arg5[%get3A] {strides = array<i32>} : memref<544xi32, #tpu.memory_space<vmem>>, vector<16xi32>,
      %get3A_28 = vector.shape_cast %get3A_27 : vector<16xi32> to vector<16xi32>
      %slice3A = vector.extract_strided_slice %get3A_28 {offsets = [0], sizes = [1], strides = [1]} : vector<16xi32> to vector<1xi32>
      %squeeze3A = vector.extract %slice3A[0] : i32 from vector<1xi32>
      %add3A_29 = arith.addi %add3A, %mul3A_26 : i32
      %add3A_30 = arith.constant 0 : i32
      %add3A_31 = arith.addi %add3A_29, %add3A_30 : i32
      %dma_start3A_32 = arith.constant 0 : i32
      %dma_start3A_33 = tpu.memref_slice %arg6[%squeeze3A, %dma_start3A_32] : memref<2x1024xf32, #tpu.memory_space<vmem>> -> memref<1x1024xf32, #tpu.memory_space<vmem>>
      %dma_start3A_34 = tpu.memref_squeeze %dma_start3A_33 : memref<1x1024xf32, #tpu.memory_space<vmem>> -> memref<1024xf32, #tpu.memory_space<vmem>>
      %dma_start3A_35 = arith.constant 0 : i32
      %dma_start3A_36 = tpu.memref_slice %arg4[%add3A_31, %dma_start3A_35] : memref<16384x1024xf32, #tpu.memory_space<hbm>> -> memref<1x1024xf32, #tpu.memory_space<hbm>>
      %dma_start3A_37 = tpu.memref_squeeze %dma_start3A_36 : memref<1x1024xf32, #tpu.memory_space<hbm>> -> memref<1024xf32, #tpu.memory_space<hbm>>
      %dma_start3A_38 = arith.constant 0 : i32
      %dma_start3A_39 = tpu.memref_slice %arg4[%add3A_31, %dma_start3A_38] : memref<16384x1024xf32, #tpu.memory_space<hbm>> -> memref<1x1024xf32, #tpu.memory_space<hbm>>
      %dma_start3A_40 = tpu.memref_squeeze %dma_start3A_39 : memref<1x1024xf32, #tpu.memory_space<hbm>> -> memref<1024xf32, #tpu.memory_space<hbm>>
      %dma_start3A_41 = arith.constant 0 : i32
      %dma_start3A_42 = tpu.memref_slice %arg6[%squeeze3A, %dma_start3A_41] : memref<2x1024xf32, #tpu.memory_space<vmem>> -> memref<1x1024xf32, #tpu.memory_space<vmem>>
      %dma_start3A_43 = tpu.memref_squeeze %dma_start3A_42 : memref<1x1024xf32, #tpu.memory_space<vmem>> -> memref<1024xf32, #tpu.memory_space<vmem>>
      tpu.enqueue_dma source(%dma_start3A_43 : memref<1024xf32, #tpu.memory_space<vmem>>) target(%dma_start3A_40 : memref<1024xf32, #tpu.memory_space<hbm>>) target_semaphore(%arg7 : memref<!tpu.dma_semaphore, #tpu.memory_space<semaphore_mem>>)
      %slice3A_44 = vector.extract_strided_slice %get3A_28 {offsets = [1], sizes = [1], strides = [1]} : vector<16xi32> to vector<1xi32>
      %squeeze3A_45 = vector.extract %slice3A_44[0] : i32 from vector<1xi32>
      %add3A_46 = arith.addi %add3A, %mul3A_26 : i32
      %add3A_47 = arith.constant 1 : i32
      %add3A_48 = arith.addi %add3A_46, %add3A_47 : i32
      %dma_start3A_49 = arith.constant 0 : i32
      %dma_start3A_50 = tpu.memref_slice %arg6[%squeeze3A_45, %dma_start3A_49] : memref<2x1024xf32, #tpu.memory_space<vmem>> -> memref<1x1024xf32, #tpu.memory_space<vmem>>
      %dma_start3A_51 = tpu.memref_squeeze %dma_start3A_50 : memref<1x1024xf32, #tpu.memory_space<vmem>> -> memref<1024xf32, #tpu.memory_space<vmem>>
      %dma_start3A_52 = arith.constant 0 : i32
      %dma_start3A_53 = tpu.memref_slice %arg4[%add3A_48, %dma_start3A_52] : memref<16384x1024xf32, #tpu.memory_space<hbm>> -> memref<1x1024xf32, #tpu.memory_space<hbm>>
      %dma_start3A_54 = tpu.memref_squeeze %dma_start3A_53 : memref<1x1024xf32, #tpu.memory_space<hbm>> -> memref<1024xf32, #tpu.memory_space<hbm>>
      %dma_start3A_55 = arith.constant 0 : i32
      %dma_start3A_56 = tpu.memref_slice %arg4[%add3A_48, %dma_start3A_55] : memref<16384x1024xf32, #tpu.memory_space<hbm>> -> memref<1x1024xf32, #tpu.memory_space<hbm>>
      %dma_start3A_57 = tpu.memref_squeeze %dma_start3A_56 : memref<1x1024xf32, #tpu.memory_space<hbm>> -> memref<1024xf32, #tpu.memory_space<hbm>>
      %dma_start3A_58 = arith.constant 0 : i32
      %dma_start3A_59 = tpu.memref_slice %arg6[%squeeze3A_45, %dma_start3A_58] : memref<2x1024xf32, #tpu.memory_space<vmem>> -> memref<1x1024xf32, #tpu.memory_space<vmem>>
      %dma_start3A_60 = tpu.memref_squeeze %dma_start3A_59 : memref<1x1024xf32, #tpu.memory_space<vmem>> -> memref<1024xf32, #tpu.memory_space<vmem>>
      tpu.enqueue_dma source(%dma_start3A_60 : memref<1024xf32, #tpu.memory_space<vmem>>) target(%dma_start3A_57 : memref<1024xf32, #tpu.memory_space<hbm>>) target_semaphore(%arg7 : memref<!tpu.dma_semaphore, #tpu.memory_space<semaphore_mem>>)
      %slice3A_61 = vector.extract_strided_slice %get3A_28 {offsets = [2], sizes = [1], strides = [1]} : vector<16xi32> to vector<1xi32>
      %squeeze3A_62 = vector.extract %slice3A_61[0] : i32 from vector<1xi32>
      %add3A_63 = arith.addi %add3A, %mul3A_26 : i32
      %add3A_64 = arith.constant 2 : i32
      %add3A_65 = arith.addi %add3A_63, %add3A_64 : i32
      %dma_start3A_66 = arith.constant 0 : i32
      %dma_start3A_67 = tpu.memref_slice %arg6[%squeeze3A_62, %dma_start3A_66] : memref<2x1024xf32, #tpu.memory_space<vmem>> -> memref<1x1024xf32, #tpu.memory_space<vmem>>
      %dma_start3A_68 = tpu.memref_squeeze %dma_start3A_67 : memref<1x1024xf32, #tpu.memory_space<vmem>> -> memref<1024xf32, #tpu.memory_space<vmem>>
      %dma_start3A_69 = arith.constant 0 : i32
      %dma_start3A_70 = tpu.memref_slice %arg4[%add3A_65, %dma_start3A_69] : memref<16384x1024xf32, #tpu.memory_space<hbm>> -> memref<1x1024xf32, #tpu.memory_space<hbm>>
      %dma_start3A_71 = tpu.memref_squeeze %dma_start3A_70 : memref<1x1024xf32, #tpu.memory_space<hbm>> -> memref<1024xf32, #tpu.memory_space<hbm>>
      %dma_start3A_72 = arith.constant 0 : i32
      %dma_start3A_73 = tpu.memref_slice %arg4[%add3A_65, %dma_start3A_72] : memref<16384x1024xf32, #tpu.memory_space<hbm>> -> memref<1x1024xf32, #tpu.memory_space<hbm>>
      %dma_start3A_74 = tpu.memref_squeeze %dma_start3A_73 : memref<1x1024xf32, #tpu.memory_space<hbm>> -> memref<1024xf32, #tpu.memory_space<hbm>>
      %dma_start3A_75 = arith.constant 0 : i32
      %dma_start3A_76 = tpu.memref_slice %arg6[%squeeze3A_62, %dma_start3A_75] : memref<2x1024xf32, #tpu.memory_space<vmem>> -> memref<1x1024xf32, #tpu.memory_space<vmem>>
      %dma_start3A_77 = tpu.memref_squeeze %dma_start3A_76 : memref<1x1024xf32, #tpu.memory_space<vmem>> -> memref<1024xf32, #tpu.memory_space<vmem>>
      tpu.enqueue_dma source(%dma_start3A_77 : memref<1024xf32, #tpu.memory_space<vmem>>) target(%dma_start3A_74 : memref<1024xf32, #tpu.memory_space<hbm>>) target_semaphore(%arg7 : memref<!tpu.dma_semaphore, #tpu.memory_space<semaphore_mem>>)
      %slice3A_78 = vector.extract_strided_slice %get3A_28 {offsets = [3], sizes = [1], strides = [1]} : vector<16xi32> to vector<1xi32>
      %squeeze3A_79 = vector.extract %slice3A_78[0] : i32 from vector<1xi32>
      %add3A_80 = arith.addi %add3A, %mul3A_26 : i32
      %add3A_81 = arith.constant 3 : i32
      %add3A_82 = arith.addi %add3A_80, %add3A_81 : i32
      %dma_start3A_83 = arith.constant 0 : i32
      %dma_start3A_84 = tpu.memref_slice %arg6[%squeeze3A_79, %dma_start3A_83] : memref<2x1024xf32, #tpu.memory_space<vmem>> -> memref<1x1024xf32, #tpu.memory_space<vmem>>
      %dma_start3A_85 = tpu.memref_squeeze %dma_start3A_84 : memref<1x1024xf32, #tpu.memory_space<vmem>> -> memref<1024xf32, #tpu.memory_space<vmem>>
      %dma_start3A_86 = arith.constant 0 : i32
      %dma_start3A_87 = tpu.memref_slice %arg4[%add3A_82, %dma_start3A_86] : memref<16384x1024xf32, #tpu.memory_space<hbm>> -> memref<1x1024xf32, #tpu.memory_space<hbm>>
      %dma_start3A_88 = tpu.memref_squeeze %dma_start3A_87 : memref<1x1024xf32, #tpu.memory_space<hbm>> -> memref<1024xf32, #tpu.memory_space<hbm>>
      %dma_start3A_89 = arith.constant 0 : i32
      %dma_start3A_90 = tpu.memref_slice %arg4[%add3A_82, %dma_start3A_89] : memref<16384x1024xf32, #tpu.memory_space<hbm>> -> memref<1x1024xf32, #tpu.memory_space<hbm>>
      %dma_start3A_91 = tpu.memref_squeeze %dma_start3A_90 : memref<1x1024xf32, #tpu.memory_space<hbm>> -> memref<1024xf32, #tpu.memory_space<hbm>>
      %dma_start3A_92 = arith.constant 0 : i32
      %dma_start3A_93 = tpu.memref_slice %arg6[%squeeze3A_79, %dma_start3A_92] : memref<2x1024xf32, #tpu.memory_space<vmem>> -> memref<1x1024xf32, #tpu.memory_space<vmem>>
      %dma_start3A_94 = tpu.memref_squeeze %dma_start3A_93 : memref<1x1024xf32, #tpu.memory_space<vmem>> -> memref<1024xf32, #tpu.memory_space<vmem>>
      tpu.enqueue_dma source(%dma_start3A_94 : memref<1024xf32, #tpu.memory_space<vmem>>) target(%dma_start3A_91 : memref<1024xf32, #tpu.memory_space<hbm>>) target_semaphore(%arg7 : memref<!tpu.dma_semaphore, #tpu.memory_space<semaphore_mem>>)
      %slice3A_95 = vector.extract_strided_slice %get3A_28 {offsets = [4], sizes = [1], strides = [1]} : vector<16xi32> to vector<1xi32>
      %squeeze3A_96 = vector.extract %slice3A_95[0] : i32 from vector<1xi32>
      %add3A_97 = arith.addi %add3A, %mul3A_26 : i32
      %add3A_98 = arith.constant 4 : i32
      %add3A_99 = arith.addi %add3A_97, %add3A_98 : i32
      %dma_start3A_100 = arith.constant 0 : i32
      %dma_start3A_101 = tpu.memref_slice %arg6[%squeeze3A_96, %dma_start3A_100] : memref<2x1024xf32, #tpu.memory_space<vmem>> -> memref<1x1024xf32, #tpu.memory_space<vmem>>
      %dma_start3A_102 = tpu.memref_squeeze %dma_start3A_101 : memref<1x1024xf32, #tpu.memory_space<vmem>> -> memref<1024xf32, #tpu.memory_space<vmem>>
      %dma_start3A_103 = arith.constant 0 : i32
      %dma_start3A_104 = tpu.memref_slice %arg4[%add3A_99, %dma_start3A_103] : memref<16384x1024xf32, #tpu.memory_space<hbm>> -> memref<1x1024xf32, #tpu.memory_space<hbm>>
      %dma_start3A_105 = tpu.memref_squeeze %dma_start3A_104 : memref<1x1024xf32, #tpu.memory_space<hbm>> -> memref<1024xf32, #tpu.memory_space<hbm>>
      %dma_start3A_106 = arith.constant 0 : i32
      %dma_start3A_107 = tpu.memref_slice %arg4[%add3A_99, %dma_start3A_106] : memref<16384x1024xf32, #tpu.memory_space<hbm>> -> memref<1x1024xf32, #tpu.memory_space<hbm>>
      %dma_start3A_108 = tpu.memref_squeeze %dma_start3A_107 : memref<1x1024xf32, #tpu.memory_space<hbm>> -> memref<1024xf32, #tpu.memory_space<hbm>>
      %dma_start3A_109 = arith.constant 0 : i32
      %dma_start3A_110 = tpu.memref_slice %arg6[%squeeze3A_96, %dma_start3A_109] : memref<2x1024xf32, #tpu.memory_space<vmem>> -> memref<1x1024xf32, #tpu.memory_space<vmem>>
      %dma_start3A_111 = tpu.memref_squeeze %dma_start3A_110 : memref<1x1024xf32, #tpu.memory_space<vmem>> -> memref<1024xf32, #tpu.memory_space<vmem>>
      tpu.enqueue_dma source(%dma_start3A_111 : memref<1024xf32, #tpu.memory_space<vmem>>) target(%dma_start3A_108 : memref<1024xf32, #tpu.memory_space<hbm>>) target_semaphore(%arg7 : memref<!tpu.dma_semaphore, #tpu.memory_space<semaphore_mem>>)
      %slice3A_112 = vector.extract_strided_slice %get3A_28 {offsets = [5], sizes = [1], strides = [1]} : vector<16xi32> to vector<1xi32>
      %squeeze3A_113 = vector.extract %slice3A_112[0] : i32 from vector<1xi32>
      %add3A_114 = arith.addi %add3A, %mul3A_26 : i32
      %add3A_115 = arith.constant 5 : i32
      %add3A_116 = arith.addi %add3A_114, %add3A_115 : i32
      %dma_start3A_117 = arith.constant 0 : i32
      %dma_start3A_118 = tpu.memref_slice %arg6[%squeeze3A_113, %dma_start3A_117] : memref<2x1024xf32, #tpu.memory_space<vmem>> -> memref<1x1024xf32, #tpu.memory_space<vmem>>
      %dma_start3A_119 = tpu.memref_squeeze %dma_start3A_118 : memref<1x1024xf32, #tpu.memory_space<vmem>> -> memref<1024xf32, #tpu.memory_space<vmem>>
      %dma_start3A_120 = arith.constant 0 : i32
      %dma_start3A_121 = tpu.memref_slice %arg4[%add3A_116, %dma_start3A_120] : memref<16384x1024xf32, #tpu.memory_space<hbm>> -> memref<1x1024xf32, #tpu.memory_space<hbm>>
      %dma_start3A_122 = tpu.memref_squeeze %dma_start3A_121 : memref<1x1024xf32, #tpu.memory_space<hbm>> -> memref<1024xf32, #tpu.memory_space<hbm>>
      %dma_start3A_123 = arith.constant 0 : i32
      %dma_start3A_124 = tpu.memref_slice %arg4[%add3A_116, %dma_start3A_123] : memref<16384x1024xf32, #tpu.memory_space<hbm>> -> memref<1x1024xf32, #tpu.memory_space<hbm>>
      %dma_start3A_125 = tpu.memref_squeeze %dma_start3A_124 : memref<1x1024xf32, #tpu.memory_space<hbm>> -> memref<1024xf32, #tpu.memory_space<hbm>>
      %dma_start3A_126 = arith.constant 0 : i32
      %dma_start3A_127 = tpu.memref_slice %arg6[%squeeze3A_113, %dma_start3A_126] : memref<2x1024xf32, #tpu.memory_space<vmem>> -> memref<1x1024xf32, #tpu.memory_space<vmem>>
      %dma_start3A_128 = tpu.memref_squeeze %dma_start3A_127 : memref<1x1024xf32, #tpu.memory_space<vmem>> -> memref<1024xf32, #tpu.memory_space<vmem>>
      tpu.enqueue_dma source(%dma_start3A_128 : memref<1024xf32, #tpu.memory_space<vmem>>) target(%dma_start3A_125 : memref<1024xf32, #tpu.memory_space<hbm>>) target_semaphore(%arg7 : memref<!tpu.dma_semaphore, #tpu.memory_space<semaphore_mem>>)
      %slice3A_129 = vector.extract_strided_slice %get3A_28 {offsets = [6], sizes = [1], strides = [1]} : vector<16xi32> to vector<1xi32>
      %squeeze3A_130 = vector.extract %slice3A_129[0] : i32 from vector<1xi32>
      %add3A_131 = arith.addi %add3A, %mul3A_26 : i32
      %add3A_132 = arith.constant 6 : i32
      %add3A_133 = arith.addi %add3A_131, %add3A_132 : i32
      %dma_start3A_134 = arith.constant 0 : i32
      %dma_start3A_135 = tpu.memref_slice %arg6[%squeeze3A_130, %dma_start3A_134] : memref<2x1024xf32, #tpu.memory_space<vmem>> -> memref<1x1024xf32, #tpu.memory_space<vmem>>
      %dma_start3A_136 = tpu.memref_squeeze %dma_start3A_135 : memref<1x1024xf32, #tpu.memory_space<vmem>> -> memref<1024xf32, #tpu.memory_space<vmem>>
      %dma_start3A_137 = arith.constant 0 : i32
      %dma_start3A_138 = tpu.memref_slice %arg4[%add3A_133, %dma_start3A_137] : memref<16384x1024xf32, #tpu.memory_space<hbm>> -> memref<1x1024xf32, #tpu.memory_space<hbm>>
      %dma_start3A_139 = tpu.memref_squeeze %dma_start3A_138 : memref<1x1024xf32, #tpu.memory_space<hbm>> -> memref<1024xf32, #tpu.memory_space<hbm>>
      %dma_start3A_140 = arith.constant 0 : i32
      %dma_start3A_141 = tpu.memref_slice %arg4[%add3A_133, %dma_start3A_140] : memref<16384x1024xf32, #tpu.memory_space<hbm>> -> memref<1x1024xf32, #tpu.memory_space<hbm>>
      %dma_start3A_142 = tpu.memref_squeeze %dma_start3A_141 : memref<1x1024xf32, #tpu.memory_space<hbm>> -> memref<1024xf32, #tpu.memory_space<hbm>>
      %dma_start3A_143 = arith.constant 0 : i32
      %dma_start3A_144 = tpu.memref_slice %arg6[%squeeze3A_130, %dma_start3A_143] : memref<2x1024xf32, #tpu.memory_space<vmem>> -> memref<1x1024xf32, #tpu.memory_space<vmem>>
      %dma_start3A_145 = tpu.memref_squeeze %dma_start3A_144 : memref<1x1024xf32, #tpu.memory_space<vmem>> -> memref<1024xf32, #tpu.memory_space<vmem>>
      tpu.enqueue_dma source(%dma_start3A_145 : memref<1024xf32, #tpu.memory_space<vmem>>) target(%dma_start3A_142 : memref<1024xf32, #tpu.memory_space<hbm>>) target_semaphore(%arg7 : memref<!tpu.dma_semaphore, #tpu.memory_space<semaphore_mem>>)
      %slice3A_146 = vector.extract_strided_slice %get3A_28 {offsets = [7], sizes = [1], strides = [1]} : vector<16xi32> to vector<1xi32>
      %squeeze3A_147 = vector.extract %slice3A_146[0] : i32 from vector<1xi32>
      %add3A_148 = arith.addi %add3A, %mul3A_26 : i32
      %add3A_149 = arith.constant 7 : i32
      %add3A_150 = arith.addi %add3A_148, %add3A_149 : i32
      %dma_start3A_151 = arith.constant 0 : i32
      %dma_start3A_152 = tpu.memref_slice %arg6[%squeeze3A_147, %dma_start3A_151] : memref<2x1024xf32, #tpu.memory_space<vmem>> -> memref<1x1024xf32, #tpu.memory_space<vmem>>
      %dma_start3A_153 = tpu.memref_squeeze %dma_start3A_152 : memref<1x1024xf32, #tpu.memory_space<vmem>> -> memref<1024xf32, #tpu.memory_space<vmem>>
      %dma_start3A_154 = arith.constant 0 : i32
      %dma_start3A_155 = tpu.memref_slice %arg4[%add3A_150, %dma_start3A_154] : memref<16384x1024xf32, #tpu.memory_space<hbm>> -> memref<1x1024xf32, #tpu.memory_space<hbm>>
      %dma_start3A_156 = tpu.memref_squeeze %dma_start3A_155 : memref<1x1024xf32, #tpu.memory_space<hbm>> -> memref<1024xf32, #tpu.memory_space<hbm>>
      %dma_start3A_157 = arith.constant 0 : i32
      %dma_start3A_158 = tpu.memref_slice %arg4[%add3A_150, %dma_start3A_157] : memref<16384x1024xf32, #tpu.memory_space<hbm>> -> memref<1x1024xf32, #tpu.memory_space<hbm>>
      %dma_start3A_159 = tpu.memref_squeeze %dma_start3A_158 : memref<1x1024xf32, #tpu.memory_space<hbm>> -> memref<1024xf32, #tpu.memory_space<hbm>>
      %dma_start3A_160 = arith.constant 0 : i32
      %dma_start3A_161 = tpu.memref_slice %arg6[%squeeze3A_147, %dma_start3A_160] : memref<2x1024xf32, #tpu.memory_space<vmem>> -> memref<1x1024xf32, #tpu.memory_space<vmem>>
      %dma_start3A_162 = tpu.memref_squeeze %dma_start3A_161 : memref<1x1024xf32, #tpu.memory_space<vmem>> -> memref<1024xf32, #tpu.memory_space<vmem>>
      tpu.enqueue_dma source(%dma_start3A_162 : memref<1024xf32, #tpu.memory_space<vmem>>) target(%dma_start3A_159 : memref<1024xf32, #tpu.memory_space<hbm>>) target_semaphore(%arg7 : memref<!tpu.dma_semaphore, #tpu.memory_space<semaphore_mem>>)
      %slice3A_163 = vector.extract_strided_slice %get3A_28 {offsets = [8], sizes = [1], strides = [1]} : vector<16xi32> to vector<1xi32>
      %squeeze3A_164 = vector.extract %slice3A_163[0] : i32 from vector<1xi32>
      %add3A_165 = arith.addi %add3A, %mul3A_26 : i32
      %add3A_166 = arith.constant 8 : i32
      %add3A_167 = arith.addi %add3A_165, %add3A_166 : i32
      %dma_start3A_168 = arith.constant 0 : i32
      %dma_start3A_169 = tpu.memref_slice %arg6[%squeeze3A_164, %dma_start3A_168] : memref<2x1024xf32, #tpu.memory_space<vmem>> -> memref<1x1024xf32, #tpu.memory_space<vmem>>
      %dma_start3A_170 = tpu.memref_squeeze %dma_start3A_169 : memref<1x1024xf32, #tpu.memory_space<vmem>> -> memref<1024xf32, #tpu.memory_space<vmem>>
      %dma_start3A_171 = arith.constant 0 : i32
      %dma_start3A_172 = tpu.memref_slice %arg4[%add3A_167, %dma_start3A_171] : memref<16384x1024xf32, #tpu.memory_space<hbm>> -> memref<1x1024xf32, #tpu.memory_space<hbm>>
      %dma_start3A_173 = tpu.memref_squeeze %dma_start3A_172 : memref<1x1024xf32, #tpu.memory_space<hbm>> -> memref<1024xf32, #tpu.memory_space<hbm>>
      %dma_start3A_174 = arith.constant 0 : i32
      %dma_start3A_175 = tpu.memref_slice %arg4[%add3A_167, %dma_start3A_174] : memref<16384x1024xf32, #tpu.memory_space<hbm>> -> memref<1x1024xf32, #tpu.memory_space<hbm>>
      %dma_start3A_176 = tpu.memref_squeeze %dma_start3A_175 : memref<1x1024xf32, #tpu.memory_space<hbm>> -> memref<1024xf32, #tpu.memory_space<hbm>>
      %dma_start3A_177 = arith.constant 0 : i32
      %dma_start3A_178 = tpu.memref_slice %arg6[%squeeze3A_164, %dma_start3A_177] : memref<2x1024xf32, #tpu.memory_space<vmem>> -> memref<1x1024xf32, #tpu.memory_space<vmem>>
      %dma_start3A_179 = tpu.memref_squeeze %dma_start3A_178 : memref<1x1024xf32, #tpu.memory_space<vmem>> -> memref<1024xf32, #tpu.memory_space<vmem>>
      tpu.enqueue_dma source(%dma_start3A_179 : memref<1024xf32, #tpu.memory_space<vmem>>) target(%dma_start3A_176 : memref<1024xf32, #tpu.memory_space<hbm>>) target_semaphore(%arg7 : memref<!tpu.dma_semaphore, #tpu.memory_space<semaphore_mem>>)
      %slice3A_180 = vector.extract_strided_slice %get3A_28 {offsets = [9], sizes = [1], strides = [1]} : vector<16xi32> to vector<1xi32>
      %squeeze3A_181 = vector.extract %slice3A_180[0] : i32 from vector<1xi32>
      %add3A_182 = arith.addi %add3A, %mul3A_26 : i32
      %add3A_183 = arith.constant 9 : i32
      %add3A_184 = arith.addi %add3A_182, %add3A_183 : i32
      %dma_start3A_185 = arith.constant 0 : i32
      %dma_start3A_186 = tpu.memref_slice %arg6[%squeeze3A_181, %dma_start3A_185] : memref<2x1024xf32, #tpu.memory_space<vmem>> -> memref<1x1024xf32, #tpu.memory_space<vmem>>
      %dma_start3A_187 = tpu.memref_squeeze %dma_start3A_186 : memref<1x1024xf32, #tpu.memory_space<vmem>> -> memref<1024xf32, #tpu.memory_space<vmem>>
      %dma_start3A_188 = arith.constant 0 : i32
      %dma_start3A_189 = tpu.memref_slice %arg4[%add3A_184, %dma_start3A_188] : memref<16384x1024xf32, #tpu.memory_space<hbm>> -> memref<1x1024xf32, #tpu.memory_space<hbm>>
      %dma_start3A_190 = tpu.memref_squeeze %dma_start3A_189 : memref<1x1024xf32, #tpu.memory_space<hbm>> -> memref<1024xf32, #tpu.memory_space<hbm>>
      %dma_start3A_191 = arith.constant 0 : i32
      %dma_start3A_192 = tpu.memref_slice %arg4[%add3A_184, %dma_start3A_191] : memref<16384x1024xf32, #tpu.memory_space<hbm>> -> memref<1x1024xf32, #tpu.memory_space<hbm>>
      %dma_start3A_193 = tpu.memref_squeeze %dma_start3A_192 : memref<1x1024xf32, #tpu.memory_space<hbm>> -> memref<1024xf32, #tpu.memory_space<hbm>>
      %dma_start3A_194 = arith.constant 0 : i32
      %dma_start3A_195 = tpu.memref_slice %arg6[%squeeze3A_181, %dma_start3A_194] : memref<2x1024xf32, #tpu.memory_space<vmem>> -> memref<1x1024xf32, #tpu.memory_space<vmem>>
      %dma_start3A_196 = tpu.memref_squeeze %dma_start3A_195 : memref<1x1024xf32, #tpu.memory_space<vmem>> -> memref<1024xf32, #tpu.memory_space<vmem>>
      tpu.enqueue_dma source(%dma_start3A_196 : memref<1024xf32, #tpu.memory_space<vmem>>) target(%dma_start3A_193 : memref<1024xf32, #tpu.memory_space<hbm>>) target_semaphore(%arg7 : memref<!tpu.dma_semaphore, #tpu.memory_space<semaphore_mem>>)
      %slice3A_197 = vector.extract_strided_slice %get3A_28 {offsets = [10], sizes = [1], strides = [1]} : vector<16xi32> to vector<1xi32>
      %squeeze3A_198 = vector.extract %slice3A_197[0] : i32 from vector<1xi32>
      %add3A_199 = arith.addi %add3A, %mul3A_26 : i32
      %add3A_200 = arith.constant 10 : i32
      %add3A_201 = arith.addi %add3A_199, %add3A_200 : i32
      %dma_start3A_202 = arith.constant 0 : i32
      %dma_start3A_203 = tpu.memref_slice %arg6[%squeeze3A_198, %dma_start3A_202] : memref<2x1024xf32, #tpu.memory_space<vmem>> -> memref<1x1024xf32, #tpu.memory_space<vmem>>
      %dma_start3A_204 = tpu.memref_squeeze %dma_start3A_203 : memref<1x1024xf32, #tpu.memory_space<vmem>> -> memref<1024xf32, #tpu.memory_space<vmem>>
      %dma_start3A_205 = arith.constant 0 : i32
      %dma_start3A_206 = tpu.memref_slice %arg4[%add3A_201, %dma_start3A_205] : memref<16384x1024xf32, #tpu.memory_space<hbm>> -> memref<1x1024xf32, #tpu.memory_space<hbm>>
      %dma_start3A_207 = tpu.memref_squeeze %dma_start3A_206 : memref<1x1024xf32, #tpu.memory_space<hbm>> -> memref<1024xf32, #tpu.memory_space<hbm>>
      %dma_start3A_208 = arith.constant 0 : i32
      %dma_start3A_209 = tpu.memref_slice %arg4[%add3A_201, %dma_start3A_208] : memref<16384x1024xf32, #tpu.memory_space<hbm>> -> memref<1x1024xf32, #tpu.memory_space<hbm>>
      %dma_start3A_210 = tpu.memref_squeeze %dma_start3A_209 : memref<1x1024xf32, #tpu.memory_space<hbm>> -> memref<1024xf32, #tpu.memory_space<hbm>>
      %dma_start3A_211 = arith.constant 0 : i32
      %dma_start3A_212 = tpu.memref_slice %arg6[%squeeze3A_198, %dma_start3A_211] : memref<2x1024xf32, #tpu.memory_space<vmem>> -> memref<1x1024xf32, #tpu.memory_space<vmem>>
      %dma_start3A_213 = tpu.memref_squeeze %dma_start3A_212 : memref<1x1024xf32, #tpu.memory_space<vmem>> -> memref<1024xf32, #tpu.memory_space<vmem>>
      tpu.enqueue_dma source(%dma_start3A_213 : memref<1024xf32, #tpu.memory_space<vmem>>) target(%dma_start3A_210 : memref<1024xf32, #tpu.memory_space<hbm>>) target_semaphore(%arg7 : memref<!tpu.dma_semaphore, #tpu.memory_space<semaphore_mem>>)
      %slice3A_214 = vector.extract_strided_slice %get3A_28 {offsets = [11], sizes = [1], strides = [1]} : vector<16xi32> to vector<1xi32>
      %squeeze3A_215 = vector.extract %slice3A_214[0] : i32 from vector<1xi32>
      %add3A_216 = arith.addi %add3A, %mul3A_26 : i32
      %add3A_217 = arith.constant 11 : i32
      %add3A_218 = arith.addi %add3A_216, %add3A_217 : i32
      %dma_start3A_219 = arith.constant 0 : i32
      %dma_start3A_220 = tpu.memref_slice %arg6[%squeeze3A_215, %dma_start3A_219] : memref<2x1024xf32, #tpu.memory_space<vmem>> -> memref<1x1024xf32, #tpu.memory_space<vmem>>
      %dma_start3A_221 = tpu.memref_squeeze %dma_start3A_220 : memref<1x1024xf32, #tpu.memory_space<vmem>> -> memref<1024xf32, #tpu.memory_space<vmem>>
      %dma_start3A_222 = arith.constant 0 : i32
      %dma_start3A_223 = tpu.memref_slice %arg4[%add3A_218, %dma_start3A_222] : memref<16384x1024xf32, #tpu.memory_space<hbm>> -> memref<1x1024xf32, #tpu.memory_space<hbm>>
      %dma_start3A_224 = tpu.memref_squeeze %dma_start3A_223 : memref<1x1024xf32, #tpu.memory_space<hbm>> -> memref<1024xf32, #tpu.memory_space<hbm>>
      %dma_start3A_225 = arith.constant 0 : i32
      %dma_start3A_226 = tpu.memref_slice %arg4[%add3A_218, %dma_start3A_225] : memref<16384x1024xf32, #tpu.memory_space<hbm>> -> memref<1x1024xf32, #tpu.memory_space<hbm>>
      %dma_start3A_227 = tpu.memref_squeeze %dma_start3A_226 : memref<1x1024xf32, #tpu.memory_space<hbm>> -> memref<1024xf32, #tpu.memory_space<hbm>>
      %dma_start3A_228 = arith.constant 0 : i32
      %dma_start3A_229 = tpu.memref_slice %arg6[%squeeze3A_215, %dma_start3A_228] : memref<2x1024xf32, #tpu.memory_space<vmem>> -> memref<1x1024xf32, #tpu.memory_space<vmem>>
      %dma_start3A_230 = tpu.memref_squeeze %dma_start3A_229 : memref<1x1024xf32, #tpu.memory_space<vmem>> -> memref<1024xf32, #tpu.memory_space<vmem>>
      tpu.enqueue_dma source(%dma_start3A_230 : memref<1024xf32, #tpu.memory_space<vmem>>) target(%dma_start3A_227 : memref<1024xf32, #tpu.memory_space<hbm>>) target_semaphore(%arg7 : memref<!tpu.dma_semaphore, #tpu.memory_space<semaphore_mem>>)
      %slice3A_231 = vector.extract_strided_slice %get3A_28 {offsets = [12], sizes = [1], strides = [1]} : vector<16xi32> to vector<1xi32>
      %squeeze3A_232 = vector.extract %slice3A_231[0] : i32 from vector<1xi32>
      %add3A_233 = arith.addi %add3A, %mul3A_26 : i32
      %add3A_234 = arith.constant 12 : i32
      %add3A_235 = arith.addi %add3A_233, %add3A_234 : i32
      %dma_start3A_236 = arith.constant 0 : i32
      %dma_start3A_237 = tpu.memref_slice %arg6[%squeeze3A_232, %dma_start3A_236] : memref<2x1024xf32, #tpu.memory_space<vmem>> -> memref<1x1024xf32, #tpu.memory_space<vmem>>
      %dma_start3A_238 = tpu.memref_squeeze %dma_start3A_237 : memref<1x1024xf32, #tpu.memory_space<vmem>> -> memref<1024xf32, #tpu.memory_space<vmem>>
      %dma_start3A_239 = arith.constant 0 : i32
      %dma_start3A_240 = tpu.memref_slice %arg4[%add3A_235, %dma_start3A_239] : memref<16384x1024xf32, #tpu.memory_space<hbm>> -> memref<1x1024xf32, #tpu.memory_space<hbm>>
      %dma_start3A_241 = tpu.memref_squeeze %dma_start3A_240 : memref<1x1024xf32, #tpu.memory_space<hbm>> -> memref<1024xf32, #tpu.memory_space<hbm>>
      %dma_start3A_242 = arith.constant 0 : i32
      %dma_start3A_243 = tpu.memref_slice %arg4[%add3A_235, %dma_start3A_242] : memref<16384x1024xf32, #tpu.memory_space<hbm>> -> memref<1x1024xf32, #tpu.memory_space<hbm>>
      %dma_start3A_244 = tpu.memref_squeeze %dma_start3A_243 : memref<1x1024xf32, #tpu.memory_space<hbm>> -> memref<1024xf32, #tpu.memory_space<hbm>>
      %dma_start3A_245 = arith.constant 0 : i32
      %dma_start3A_246 = tpu.memref_slice %arg6[%squeeze3A_232, %dma_start3A_245] : memref<2x1024xf32, #tpu.memory_space<vmem>> -> memref<1x1024xf32, #tpu.memory_space<vmem>>
      %dma_start3A_247 = tpu.memref_squeeze %dma_start3A_246 : memref<1x1024xf32, #tpu.memory_space<vmem>> -> memref<1024xf32, #tpu.memory_space<vmem>>
      tpu.enqueue_dma source(%dma_start3A_247 : memref<1024xf32, #tpu.memory_space<vmem>>) target(%dma_start3A_244 : memref<1024xf32, #tpu.memory_space<hbm>>) target_semaphore(%arg7 : memref<!tpu.dma_semaphore, #tpu.memory_space<semaphore_mem>>)
      %slice3A_248 = vector.extract_strided_slice %get3A_28 {offsets = [13], sizes = [1], strides = [1]} : vector<16xi32> to vector<1xi32>
      %squeeze3A_249 = vector.extract %slice3A_248[0] : i32 from vector<1xi32>
      %add3A_250 = arith.addi %add3A, %mul3A_26 : i32
      %add3A_251 = arith.constant 13 : i32
      %add3A_252 = arith.addi %add3A_250, %add3A_251 : i32
      %dma_start3A_253 = arith.constant 0 : i32
      %dma_start3A_254 = tpu.memref_slice %arg6[%squeeze3A_249, %dma_start3A_253] : memref<2x1024xf32, #tpu.memory_space<vmem>> -> memref<1x1024xf32, #tpu.memory_space<vmem>>
      %dma_start3A_255 = tpu.memref_squeeze %dma_start3A_254 : memref<1x1024xf32, #tpu.memory_space<vmem>> -> memref<1024xf32, #tpu.memory_space<vmem>>
      %dma_start3A_256 = arith.constant 0 : i32
      %dma_start3A_257 = tpu.memref_slice %arg4[%add3A_252, %dma_start3A_256] : memref<16384x1024xf32, #tpu.memory_space<hbm>> -> memref<1x1024xf32, #tpu.memory_space<hbm>>
      %dma_start3A_258 = tpu.memref_squeeze %dma_start3A_257 : memref<1x1024xf32, #tpu.memory_space<hbm>> -> memref<1024xf32, #tpu.memory_space<hbm>>
      %dma_start3A_259 = arith.constant 0 : i32
      %dma_start3A_260 = tpu.memref_slice %arg4[%add3A_252, %dma_start3A_259] : memref<16384x1024xf32, #tpu.memory_space<hbm>> -> memref<1x1024xf32, #tpu.memory_space<hbm>>
      %dma_start3A_261 = tpu.memref_squeeze %dma_start3A_260 : memref<1x1024xf32, #tpu.memory_space<hbm>> -> memref<1024xf32, #tpu.memory_space<hbm>>
      %dma_start3A_262 = arith.constant 0 : i32
      %dma_start3A_263 = tpu.memref_slice %arg6[%squeeze3A_249, %dma_start3A_262] : memref<2x1024xf32, #tpu.memory_space<vmem>> -> memref<1x1024xf32, #tpu.memory_space<vmem>>
      %dma_start3A_264 = tpu.memref_squeeze %dma_start3A_263 : memref<1x1024xf32, #tpu.memory_space<vmem>> -> memref<1024xf32, #tpu.memory_space<vmem>>
      tpu.enqueue_dma source(%dma_start3A_264 : memref<1024xf32, #tpu.memory_space<vmem>>) target(%dma_start3A_261 : memref<1024xf32, #tpu.memory_space<hbm>>) target_semaphore(%arg7 : memref<!tpu.dma_semaphore, #tpu.memory_space<semaphore_mem>>)
      %slice3A_265 = vector.extract_strided_slice %get3A_28 {offsets = [14], sizes = [1], strides = [1]} : vector<16xi32> to vector<1xi32>
      %squeeze3A_266 = vector.extract %slice3A_265[0] : i32 from vector<1xi32>
      %add3A_267 = arith.addi %add3A, %mul3A_26 : i32
      %add3A_268 = arith.constant 14 : i32
      %add3A_269 = arith.addi %add3A_267, %add3A_268 : i32
      %dma_start3A_270 = arith.constant 0 : i32
      %dma_start3A_271 = tpu.memref_slice %arg6[%squeeze3A_266, %dma_start3A_270] : memref<2x1024xf32, #tpu.memory_space<vmem>> -> memref<1x1024xf32, #tpu.memory_space<vmem>>
      %dma_start3A_272 = tpu.memref_squeeze %dma_start3A_271 : memref<1x1024xf32, #tpu.memory_space<vmem>> -> memref<1024xf32, #tpu.memory_space<vmem>>
      %dma_start3A_273 = arith.constant 0 : i32
      %dma_start3A_274 = tpu.memref_slice %arg4[%add3A_269, %dma_start3A_273] : memref<16384x1024xf32, #tpu.memory_space<hbm>> -> memref<1x1024xf32, #tpu.memory_space<hbm>>
      %dma_start3A_275 = tpu.memref_squeeze %dma_start3A_274 : memref<1x1024xf32, #tpu.memory_space<hbm>> -> memref<1024xf32, #tpu.memory_space<hbm>>
      %dma_start3A_276 = arith.constant 0 : i32
      %dma_start3A_277 = tpu.memref_slice %arg4[%add3A_269, %dma_start3A_276] : memref<16384x1024xf32, #tpu.memory_space<hbm>> -> memref<1x1024xf32, #tpu.memory_space<hbm>>
      %dma_start3A_278 = tpu.memref_squeeze %dma_start3A_277 : memref<1x1024xf32, #tpu.memory_space<hbm>> -> memref<1024xf32, #tpu.memory_space<hbm>>
      %dma_start3A_279 = arith.constant 0 : i32
      %dma_start3A_280 = tpu.memref_slice %arg6[%squeeze3A_266, %dma_start3A_279] : memref<2x1024xf32, #tpu.memory_space<vmem>> -> memref<1x1024xf32, #tpu.memory_space<vmem>>
      %dma_start3A_281 = tpu.memref_squeeze %dma_start3A_280 : memref<1x1024xf32, #tpu.memory_space<vmem>> -> memref<1024xf32, #tpu.memory_space<vmem>>
      tpu.enqueue_dma source(%dma_start3A_281 : memref<1024xf32, #tpu.memory_space<vmem>>) target(%dma_start3A_278 : memref<1024xf32, #tpu.memory_space<hbm>>) target_semaphore(%arg7 : memref<!tpu.dma_semaphore, #tpu.memory_space<semaphore_mem>>)
      %slice3A_282 = vector.extract_strided_slice %get3A_28 {offsets = [15], sizes = [1], strides = [1]} : vector<16xi32> to vector<1xi32>
      %squeeze3A_283 = vector.extract %slice3A_282[0] : i32 from vector<1xi32>
      %add3A_284 = arith.addi %add3A, %mul3A_26 : i32
      %add3A_285 = arith.constant 15 : i32
      %add3A_286 = arith.addi %add3A_284, %add3A_285 : i32
      %dma_start3A_287 = arith.constant 0 : i32
      %dma_start3A_288 = tpu.memref_slice %arg6[%squeeze3A_283, %dma_start3A_287] : memref<2x1024xf32, #tpu.memory_space<vmem>> -> memref<1x1024xf32, #tpu.memory_space<vmem>>
      %dma_start3A_289 = tpu.memref_squeeze %dma_start3A_288 : memref<1x1024xf32, #tpu.memory_space<vmem>> -> memref<1024xf32, #tpu.memory_space<vmem>>
      %dma_start3A_290 = arith.constant 0 : i32
      %dma_start3A_291 = tpu.memref_slice %arg4[%add3A_286, %dma_start3A_290] : memref<16384x1024xf32, #tpu.memory_space<hbm>> -> memref<1x1024xf32, #tpu.memory_space<hbm>>
      %dma_start3A_292 = tpu.memref_squeeze %dma_start3A_291 : memref<1x1024xf32, #tpu.memory_space<hbm>> -> memref<1024xf32, #tpu.memory_space<hbm>>
      %dma_start3A_293 = arith.constant 0 : i32
      %dma_start3A_294 = tpu.memref_slice %arg4[%add3A_286, %dma_start3A_293] : memref<16384x1024xf32, #tpu.memory_space<hbm>> -> memref<1x1024xf32, #tpu.memory_space<hbm>>
      %dma_start3A_295 = tpu.memref_squeeze %dma_start3A_294 : memref<1x1024xf32, #tpu.memory_space<hbm>> -> memref<1024xf32, #tpu.memory_space<hbm>>
      %dma_start3A_296 = arith.constant 0 : i32
      %dma_start3A_297 = tpu.memref_slice %arg6[%squeeze3A_283, %dma_start3A_296] : memref<2x1024xf32, #tpu.memory_space<vmem>> -> memref<1x1024xf32, #tpu.memory_space<vmem>>
      %dma_start3A_298 = tpu.memref_squeeze %dma_start3A_297 : memref<1x1024xf32, #tpu.memory_space<vmem>> -> memref<1024xf32, #tpu.memory_space<vmem>>
      tpu.enqueue_dma source(%dma_start3A_298 : memref<1024xf32, #tpu.memory_space<vmem>>) target(%dma_start3A_295 : memref<1024xf32, #tpu.memory_space<hbm>>) target_semaphore(%arg7 : memref<!tpu.dma_semaphore, #tpu.memory_space<semaphore_mem>>)
    }
    %while3A_17 = arith.constant 1 : i32
    scf.for %while3A_24 = %while3A_15 to %while3A_11 step %while3A_17  : i32 {
      %mul3A_25 = arith.constant 16 : i32
      %mul3A_26 = arith.muli %while3A_24, %mul3A_25 : i32
      %get3A = arith.index_cast %mul3A_26 : i32 to index
      %get3A_27 = tpu.vector_load %arg5[%get3A] {strides = array<i32>} : memref<544xi32, #tpu.memory_space<vmem>>, vector<16xi32>,
      %get3A_28 = vector.shape_cast %get3A_27 : vector<16xi32> to vector<16xi32>
      %slice3A = vector.extract_strided_slice %get3A_28 {offsets = [0], sizes = [1], strides = [1]} : vector<16xi32> to vector<1xi32>
      %squeeze3A = vector.extract %slice3A[0] : i32 from vector<1xi32>
      %add3A_29 = arith.addi %add3A, %mul3A_26 : i32
      %add3A_30 = arith.constant 0 : i32
      %add3A_31 = arith.addi %add3A_29, %add3A_30 : i32
      %dma_start3A_32 = arith.constant 0 : i32
      %dma_start3A_33 = tpu.memref_slice %arg6[%squeeze3A, %dma_start3A_32] : memref<2x1024xf32, #tpu.memory_space<vmem>> -> memref<1x1024xf32, #tpu.memory_space<vmem>>
      %dma_start3A_34 = tpu.memref_squeeze %dma_start3A_33 : memref<1x1024xf32, #tpu.memory_space<vmem>> -> memref<1024xf32, #tpu.memory_space<vmem>>
      %dma_start3A_35 = arith.constant 0 : i32
      %dma_start3A_36 = tpu.memref_slice %arg4[%add3A_31, %dma_start3A_35] : memref<16384x1024xf32, #tpu.memory_space<hbm>> -> memref<1x1024xf32, #tpu.memory_space<hbm>>
      %dma_start3A_37 = tpu.memref_squeeze %dma_start3A_36 : memref<1x1024xf32, #tpu.memory_space<hbm>> -> memref<1024xf32, #tpu.memory_space<hbm>>
      %dma_start3A_38 = arith.constant 0 : i32
      %dma_start3A_39 = tpu.memref_slice %arg4[%add3A_31, %dma_start3A_38] : memref<16384x1024xf32, #tpu.memory_space<hbm>> -> memref<1x1024xf32, #tpu.memory_space<hbm>>
      %dma_start3A_40 = tpu.memref_squeeze %dma_start3A_39 : memref<1x1024xf32, #tpu.memory_space<hbm>> -> memref<1024xf32, #tpu.memory_space<hbm>>
      %dma_start3A_41 = arith.constant 0 : i32
      %dma_start3A_42 = tpu.memref_slice %arg6[%squeeze3A, %dma_start3A_41] : memref<2x1024xf32, #tpu.memory_space<vmem>> -> memref<1x1024xf32, #tpu.memory_space<vmem>>
      %dma_start3A_43 = tpu.memref_squeeze %dma_start3A_42 : memref<1x1024xf32, #tpu.memory_space<vmem>> -> memref<1024xf32, #tpu.memory_space<vmem>>
      tpu.enqueue_dma source(%dma_start3A_43 : memref<1024xf32, #tpu.memory_space<vmem>>) target(%dma_start3A_40 : memref<1024xf32, #tpu.memory_space<hbm>>) target_semaphore(%arg7 : memref<!tpu.dma_semaphore, #tpu.memory_space<semaphore_mem>>)
      %slice3A_44 = vector.extract_strided_slice %get3A_28 {offsets = [1], sizes = [1], strides = [1]} : vector<16xi32> to vector<1xi32>
      %squeeze3A_45 = vector.extract %slice3A_44[0] : i32 from vector<1xi32>
      %add3A_46 = arith.addi %add3A, %mul3A_26 : i32
      %add3A_47 = arith.constant 1 : i32
      %add3A_48 = arith.addi %add3A_46, %add3A_47 : i32
      %dma_start3A_49 = arith.constant 0 : i32
      %dma_start3A_50 = tpu.memref_slice %arg6[%squeeze3A_45, %dma_start3A_49] : memref<2x1024xf32, #tpu.memory_space<vmem>> -> memref<1x1024xf32, #tpu.memory_space<vmem>>
      %dma_start3A_51 = tpu.memref_squeeze %dma_start3A_50 : memref<1x1024xf32, #tpu.memory_space<vmem>> -> memref<1024xf32, #tpu.memory_space<vmem>>
      %dma_start3A_52 = arith.constant 0 : i32
      %dma_start3A_53 = tpu.memref_slice %arg4[%add3A_48, %dma_start3A_52] : memref<16384x1024xf32, #tpu.memory_space<hbm>> -> memref<1x1024xf32, #tpu.memory_space<hbm>>
      %dma_start3A_54 = tpu.memref_squeeze %dma_start3A_53 : memref<1x1024xf32, #tpu.memory_space<hbm>> -> memref<1024xf32, #tpu.memory_space<hbm>>
      %dma_start3A_55 = arith.constant 0 : i32
      %dma_start3A_56 = tpu.memref_slice %arg4[%add3A_48, %dma_start3A_55] : memref<16384x1024xf32, #tpu.memory_space<hbm>> -> memref<1x1024xf32, #tpu.memory_space<hbm>>
      %dma_start3A_57 = tpu.memref_squeeze %dma_start3A_56 : memref<1x1024xf32, #tpu.memory_space<hbm>> -> memref<1024xf32, #tpu.memory_space<hbm>>
      %dma_start3A_58 = arith.constant 0 : i32
      %dma_start3A_59 = tpu.memref_slice %arg6[%squeeze3A_45, %dma_start3A_58] : memref<2x1024xf32, #tpu.memory_space<vmem>> -> memref<1x1024xf32, #tpu.memory_space<vmem>>
      %dma_start3A_60 = tpu.memref_squeeze %dma_start3A_59 : memref<1x1024xf32, #tpu.memory_space<vmem>> -> memref<1024xf32, #tpu.memory_space<vmem>>
      tpu.enqueue_dma source(%dma_start3A_60 : memref<1024xf32, #tpu.memory_space<vmem>>) target(%dma_start3A_57 : memref<1024xf32, #tpu.memory_space<hbm>>) target_semaphore(%arg7 : memref<!tpu.dma_semaphore, #tpu.memory_space<semaphore_mem>>)
      %slice3A_61 = vector.extract_strided_slice %get3A_28 {offsets = [2], sizes = [1], strides = [1]} : vector<16xi32> to vector<1xi32>
      %squeeze3A_62 = vector.extract %slice3A_61[0] : i32 from vector<1xi32>
      %add3A_63 = arith.addi %add3A, %mul3A_26 : i32
      %add3A_64 = arith.constant 2 : i32
      %add3A_65 = arith.addi %add3A_63, %add3A_64 : i32
      %dma_start3A_66 = arith.constant 0 : i32
      %dma_start3A_67 = tpu.memref_slice %arg6[%squeeze3A_62, %dma_start3A_66] : memref<2x1024xf32, #tpu.memory_space<vmem>> -> memref<1x1024xf32, #tpu.memory_space<vmem>>
      %dma_start3A_68 = tpu.memref_squeeze %dma_start3A_67 : memref<1x1024xf32, #tpu.memory_space<vmem>> -> memref<1024xf32, #tpu.memory_space<vmem>>
      %dma_start3A_69 = arith.constant 0 : i32
      %dma_start3A_70 = tpu.memref_slice %arg4[%add3A_65, %dma_start3A_69] : memref<16384x1024xf32, #tpu.memory_space<hbm>> -> memref<1x1024xf32, #tpu.memory_space<hbm>>
      %dma_start3A_71 = tpu.memref_squeeze %dma_start3A_70 : memref<1x1024xf32, #tpu.memory_space<hbm>> -> memref<1024xf32, #tpu.memory_space<hbm>>
      %dma_start3A_72 = arith.constant 0 : i32
      %dma_start3A_73 = tpu.memref_slice %arg4[%add3A_65, %dma_start3A_72] : memref<16384x1024xf32, #tpu.memory_space<hbm>> -> memref<1x1024xf32, #tpu.memory_space<hbm>>
      %dma_start3A_74 = tpu.memref_squeeze %dma_start3A_73 : memref<1x1024xf32, #tpu.memory_space<hbm>> -> memref<1024xf32, #tpu.memory_space<hbm>>
      %dma_start3A_75 = arith.constant 0 : i32
      %dma_start3A_76 = tpu.memref_slice %arg6[%squeeze3A_62, %dma_start3A_75] : memref<2x1024xf32, #tpu.memory_space<vmem>> -> memref<1x1024xf32, #tpu.memory_space<vmem>>
      %dma_start3A_77 = tpu.memref_squeeze %dma_start3A_76 : memref<1x1024xf32, #tpu.memory_space<vmem>> -> memref<1024xf32, #tpu.memory_space<vmem>>
      tpu.enqueue_dma source(%dma_start3A_77 : memref<1024xf32, #tpu.memory_space<vmem>>) target(%dma_start3A_74 : memref<1024xf32, #tpu.memory_space<hbm>>) target_semaphore(%arg7 : memref<!tpu.dma_semaphore, #tpu.memory_space<semaphore_mem>>)
      %slice3A_78 = vector.extract_strided_slice %get3A_28 {offsets = [3], sizes = [1], strides = [1]} : vector<16xi32> to vector<1xi32>
      %squeeze3A_79 = vector.extract %slice3A_78[0] : i32 from vector<1xi32>
      %add3A_80 = arith.addi %add3A, %mul3A_26 : i32
      %add3A_81 = arith.constant 3 : i32
      %add3A_82 = arith.addi %add3A_80, %add3A_81 : i32
      %dma_start3A_83 = arith.constant 0 : i32
      %dma_start3A_84 = tpu.memref_slice %arg6[%squeeze3A_79, %dma_start3A_83] : memref<2x1024xf32, #tpu.memory_space<vmem>> -> memref<1x1024xf32, #tpu.memory_space<vmem>>
      %dma_start3A_85 = tpu.memref_squeeze %dma_start3A_84 : memref<1x1024xf32, #tpu.memory_space<vmem>> -> memref<1024xf32, #tpu.memory_space<vmem>>
      %dma_start3A_86 = arith.constant 0 : i32
      %dma_start3A_87 = tpu.memref_slice %arg4[%add3A_82, %dma_start3A_86] : memref<16384x1024xf32, #tpu.memory_space<hbm>> -> memref<1x1024xf32, #tpu.memory_space<hbm>>
      %dma_start3A_88 = tpu.memref_squeeze %dma_start3A_87 : memref<1x1024xf32, #tpu.memory_space<hbm>> -> memref<1024xf32, #tpu.memory_space<hbm>>
      %dma_start3A_89 = arith.constant 0 : i32
      %dma_start3A_90 = tpu.memref_slice %arg4[%add3A_82, %dma_start3A_89] : memref<16384x1024xf32, #tpu.memory_space<hbm>> -> memref<1x1024xf32, #tpu.memory_space<hbm>>
      %dma_start3A_91 = tpu.memref_squeeze %dma_start3A_90 : memref<1x1024xf32, #tpu.memory_space<hbm>> -> memref<1024xf32, #tpu.memory_space<hbm>>
      %dma_start3A_92 = arith.constant 0 : i32
      %dma_start3A_93 = tpu.memref_slice %arg6[%squeeze3A_79, %dma_start3A_92] : memref<2x1024xf32, #tpu.memory_space<vmem>> -> memref<1x1024xf32, #tpu.memory_space<vmem>>
      %dma_start3A_94 = tpu.memref_squeeze %dma_start3A_93 : memref<1x1024xf32, #tpu.memory_space<vmem>> -> memref<1024xf32, #tpu.memory_space<vmem>>
      tpu.enqueue_dma source(%dma_start3A_94 : memref<1024xf32, #tpu.memory_space<vmem>>) target(%dma_start3A_91 : memref<1024xf32, #tpu.memory_space<hbm>>) target_semaphore(%arg7 : memref<!tpu.dma_semaphore, #tpu.memory_space<semaphore_mem>>)
      %slice3A_95 = vector.extract_strided_slice %get3A_28 {offsets = [4], sizes = [1], strides = [1]} : vector<16xi32> to vector<1xi32>
      %squeeze3A_96 = vector.extract %slice3A_95[0] : i32 from vector<1xi32>
      %add3A_97 = arith.addi %add3A, %mul3A_26 : i32
      %add3A_98 = arith.constant 4 : i32
      %add3A_99 = arith.addi %add3A_97, %add3A_98 : i32
      %dma_start3A_100 = arith.constant 0 : i32
      %dma_start3A_101 = tpu.memref_slice %arg6[%squeeze3A_96, %dma_start3A_100] : memref<2x1024xf32, #tpu.memory_space<vmem>> -> memref<1x1024xf32, #tpu.memory_space<vmem>>
      %dma_start3A_102 = tpu.memref_squeeze %dma_start3A_101 : memref<1x1024xf32, #tpu.memory_space<vmem>> -> memref<1024xf32, #tpu.memory_space<vmem>>
      %dma_start3A_103 = arith.constant 0 : i32
      %dma_start3A_104 = tpu.memref_slice %arg4[%add3A_99, %dma_start3A_103] : memref<16384x1024xf32, #tpu.memory_space<hbm>> -> memref<1x1024xf32, #tpu.memory_space<hbm>>
      %dma_start3A_105 = tpu.memref_squeeze %dma_start3A_104 : memref<1x1024xf32, #tpu.memory_space<hbm>> -> memref<1024xf32, #tpu.memory_space<hbm>>
      %dma_start3A_106 = arith.constant 0 : i32
      %dma_start3A_107 = tpu.memref_slice %arg4[%add3A_99, %dma_start3A_106] : memref<16384x1024xf32, #tpu.memory_space<hbm>> -> memref<1x1024xf32, #tpu.memory_space<hbm>>
      %dma_start3A_108 = tpu.memref_squeeze %dma_start3A_107 : memref<1x1024xf32, #tpu.memory_space<hbm>> -> memref<1024xf32, #tpu.memory_space<hbm>>
      %dma_start3A_109 = arith.constant 0 : i32
      %dma_start3A_110 = tpu.memref_slice %arg6[%squeeze3A_96, %dma_start3A_109] : memref<2x1024xf32, #tpu.memory_space<vmem>> -> memref<1x1024xf32, #tpu.memory_space<vmem>>
      %dma_start3A_111 = tpu.memref_squeeze %dma_start3A_110 : memref<1x1024xf32, #tpu.memory_space<vmem>> -> memref<1024xf32, #tpu.memory_space<vmem>>
      tpu.enqueue_dma source(%dma_start3A_111 : memref<1024xf32, #tpu.memory_space<vmem>>) target(%dma_start3A_108 : memref<1024xf32, #tpu.memory_space<hbm>>) target_semaphore(%arg7 : memref<!tpu.dma_semaphore, #tpu.memory_space<semaphore_mem>>)
      %slice3A_112 = vector.extract_strided_slice %get3A_28 {offsets = [5], sizes = [1], strides = [1]} : vector<16xi32> to vector<1xi32>
      %squeeze3A_113 = vector.extract %slice3A_112[0] : i32 from vector<1xi32>
      %add3A_114 = arith.addi %add3A, %mul3A_26 : i32
      %add3A_115 = arith.constant 5 : i32
      %add3A_116 = arith.addi %add3A_114, %add3A_115 : i32
      %dma_start3A_117 = arith.constant 0 : i32
      %dma_start3A_118 = tpu.memref_slice %arg6[%squeeze3A_113, %dma_start3A_117] : memref<2x1024xf32, #tpu.memory_space<vmem>> -> memref<1x1024xf32, #tpu.memory_space<vmem>>
      %dma_start3A_119 = tpu.memref_squeeze %dma_start3A_118 : memref<1x1024xf32, #tpu.memory_space<vmem>> -> memref<1024xf32, #tpu.memory_space<vmem>>
      %dma_start3A_120 = arith.constant 0 : i32
      %dma_start3A_121 = tpu.memref_slice %arg4[%add3A_116, %dma_start3A_120] : memref<16384x1024xf32, #tpu.memory_space<hbm>> -> memref<1x1024xf32, #tpu.memory_space<hbm>>
      %dma_start3A_122 = tpu.memref_squeeze %dma_start3A_121 : memref<1x1024xf32, #tpu.memory_space<hbm>> -> memref<1024xf32, #tpu.memory_space<hbm>>
      %dma_start3A_123 = arith.constant 0 : i32
      %dma_start3A_124 = tpu.memref_slice %arg4[%add3A_116, %dma_start3A_123] : memref<16384x1024xf32, #tpu.memory_space<hbm>> -> memref<1x1024xf32, #tpu.memory_space<hbm>>
      %dma_start3A_125 = tpu.memref_squeeze %dma_start3A_124 : memref<1x1024xf32, #tpu.memory_space<hbm>> -> memref<1024xf32, #tpu.memory_space<hbm>>
      %dma_start3A_126 = arith.constant 0 : i32
      %dma_start3A_127 = tpu.memref_slice %arg6[%squeeze3A_113, %dma_start3A_126] : memref<2x1024xf32, #tpu.memory_space<vmem>> -> memref<1x1024xf32, #tpu.memory_space<vmem>>
      %dma_start3A_128 = tpu.memref_squeeze %dma_start3A_127 : memref<1x1024xf32, #tpu.memory_space<vmem>> -> memref<1024xf32, #tpu.memory_space<vmem>>
      tpu.enqueue_dma source(%dma_start3A_128 : memref<1024xf32, #tpu.memory_space<vmem>>) target(%dma_start3A_125 : memref<1024xf32, #tpu.memory_space<hbm>>) target_semaphore(%arg7 : memref<!tpu.dma_semaphore, #tpu.memory_space<semaphore_mem>>)
      %slice3A_129 = vector.extract_strided_slice %get3A_28 {offsets = [6], sizes = [1], strides = [1]} : vector<16xi32> to vector<1xi32>
      %squeeze3A_130 = vector.extract %slice3A_129[0] : i32 from vector<1xi32>
      %add3A_131 = arith.addi %add3A, %mul3A_26 : i32
      %add3A_132 = arith.constant 6 : i32
      %add3A_133 = arith.addi %add3A_131, %add3A_132 : i32
      %dma_start3A_134 = arith.constant 0 : i32
      %dma_start3A_135 = tpu.memref_slice %arg6[%squeeze3A_130, %dma_start3A_134] : memref<2x1024xf32, #tpu.memory_space<vmem>> -> memref<1x1024xf32, #tpu.memory_space<vmem>>
      %dma_start3A_136 = tpu.memref_squeeze %dma_start3A_135 : memref<1x1024xf32, #tpu.memory_space<vmem>> -> memref<1024xf32, #tpu.memory_space<vmem>>
      %dma_start3A_137 = arith.constant 0 : i32
      %dma_start3A_138 = tpu.memref_slice %arg4[%add3A_133, %dma_start3A_137] : memref<16384x1024xf32, #tpu.memory_space<hbm>> -> memref<1x1024xf32, #tpu.memory_space<hbm>>
      %dma_start3A_139 = tpu.memref_squeeze %dma_start3A_138 : memref<1x1024xf32, #tpu.memory_space<hbm>> -> memref<1024xf32, #tpu.memory_space<hbm>>
      %dma_start3A_140 = arith.constant 0 : i32
      %dma_start3A_141 = tpu.memref_slice %arg4[%add3A_133, %dma_start3A_140] : memref<16384x1024xf32, #tpu.memory_space<hbm>> -> memref<1x1024xf32, #tpu.memory_space<hbm>>
      %dma_start3A_142 = tpu.memref_squeeze %dma_start3A_141 : memref<1x1024xf32, #tpu.memory_space<hbm>> -> memref<1024xf32, #tpu.memory_space<hbm>>
      %dma_start3A_143 = arith.constant 0 : i32
      %dma_start3A_144 = tpu.memref_slice %arg6[%squeeze3A_130, %dma_start3A_143] : memref<2x1024xf32, #tpu.memory_space<vmem>> -> memref<1x1024xf32, #tpu.memory_space<vmem>>
      %dma_start3A_145 = tpu.memref_squeeze %dma_start3A_144 : memref<1x1024xf32, #tpu.memory_space<vmem>> -> memref<1024xf32, #tpu.memory_space<vmem>>
      tpu.enqueue_dma source(%dma_start3A_145 : memref<1024xf32, #tpu.memory_space<vmem>>) target(%dma_start3A_142 : memref<1024xf32, #tpu.memory_space<hbm>>) target_semaphore(%arg7 : memref<!tpu.dma_semaphore, #tpu.memory_space<semaphore_mem>>)
      %slice3A_146 = vector.extract_strided_slice %get3A_28 {offsets = [7], sizes = [1], strides = [1]} : vector<16xi32> to vector<1xi32>
      %squeeze3A_147 = vector.extract %slice3A_146[0] : i32 from vector<1xi32>
      %add3A_148 = arith.addi %add3A, %mul3A_26 : i32
      %add3A_149 = arith.constant 7 : i32
      %add3A_150 = arith.addi %add3A_148, %add3A_149 : i32
      %dma_start3A_151 = arith.constant 0 : i32
      %dma_start3A_152 = tpu.memref_slice %arg6[%squeeze3A_147, %dma_start3A_151] : memref<2x1024xf32, #tpu.memory_space<vmem>> -> memref<1x1024xf32, #tpu.memory_space<vmem>>
      %dma_start3A_153 = tpu.memref_squeeze %dma_start3A_152 : memref<1x1024xf32, #tpu.memory_space<vmem>> -> memref<1024xf32, #tpu.memory_space<vmem>>
      %dma_start3A_154 = arith.constant 0 : i32
      %dma_start3A_155 = tpu.memref_slice %arg4[%add3A_150, %dma_start3A_154] : memref<16384x1024xf32, #tpu.memory_space<hbm>> -> memref<1x1024xf32, #tpu.memory_space<hbm>>
      %dma_start3A_156 = tpu.memref_squeeze %dma_start3A_155 : memref<1x1024xf32, #tpu.memory_space<hbm>> -> memref<1024xf32, #tpu.memory_space<hbm>>
      %dma_start3A_157 = arith.constant 0 : i32
      %dma_start3A_158 = tpu.memref_slice %arg4[%add3A_150, %dma_start3A_157] : memref<16384x1024xf32, #tpu.memory_space<hbm>> -> memref<1x1024xf32, #tpu.memory_space<hbm>>
      %dma_start3A_159 = tpu.memref_squeeze %dma_start3A_158 : memref<1x1024xf32, #tpu.memory_space<hbm>> -> memref<1024xf32, #tpu.memory_space<hbm>>
      %dma_start3A_160 = arith.constant 0 : i32
      %dma_start3A_161 = tpu.memref_slice %arg6[%squeeze3A_147, %dma_start3A_160] : memref<2x1024xf32, #tpu.memory_space<vmem>> -> memref<1x1024xf32, #tpu.memory_space<vmem>>
      %dma_start3A_162 = tpu.memref_squeeze %dma_start3A_161 : memref<1x1024xf32, #tpu.memory_space<vmem>> -> memref<1024xf32, #tpu.memory_space<vmem>>
      tpu.enqueue_dma source(%dma_start3A_162 : memref<1024xf32, #tpu.memory_space<vmem>>) target(%dma_start3A_159 : memref<1024xf32, #tpu.memory_space<hbm>>) target_semaphore(%arg7 : memref<!tpu.dma_semaphore, #tpu.memory_space<semaphore_mem>>)
      %slice3A_163 = vector.extract_strided_slice %get3A_28 {offsets = [8], sizes = [1], strides = [1]} : vector<16xi32> to vector<1xi32>
      %squeeze3A_164 = vector.extract %slice3A_163[0] : i32 from vector<1xi32>
      %add3A_165 = arith.addi %add3A, %mul3A_26 : i32
      %add3A_166 = arith.constant 8 : i32
      %add3A_167 = arith.addi %add3A_165, %add3A_166 : i32
      %dma_start3A_168 = arith.constant 0 : i32
      %dma_start3A_169 = tpu.memref_slice %arg6[%squeeze3A_164, %dma_start3A_168] : memref<2x1024xf32, #tpu.memory_space<vmem>> -> memref<1x1024xf32, #tpu.memory_space<vmem>>
      %dma_start3A_170 = tpu.memref_squeeze %dma_start3A_169 : memref<1x1024xf32, #tpu.memory_space<vmem>> -> memref<1024xf32, #tpu.memory_space<vmem>>
      %dma_start3A_171 = arith.constant 0 : i32
      %dma_start3A_172 = tpu.memref_slice %arg4[%add3A_167, %dma_start3A_171] : memref<16384x1024xf32, #tpu.memory_space<hbm>> -> memref<1x1024xf32, #tpu.memory_space<hbm>>
      %dma_start3A_173 = tpu.memref_squeeze %dma_start3A_172 : memref<1x1024xf32, #tpu.memory_space<hbm>> -> memref<1024xf32, #tpu.memory_space<hbm>>
      %dma_start3A_174 = arith.constant 0 : i32
      %dma_start3A_175 = tpu.memref_slice %arg4[%add3A_167, %dma_start3A_174] : memref<16384x1024xf32, #tpu.memory_space<hbm>> -> memref<1x1024xf32, #tpu.memory_space<hbm>>
      %dma_start3A_176 = tpu.memref_squeeze %dma_start3A_175 : memref<1x1024xf32, #tpu.memory_space<hbm>> -> memref<1024xf32, #tpu.memory_space<hbm>>
      %dma_start3A_177 = arith.constant 0 : i32
      %dma_start3A_178 = tpu.memref_slice %arg6[%squeeze3A_164, %dma_start3A_177] : memref<2x1024xf32, #tpu.memory_space<vmem>> -> memref<1x1024xf32, #tpu.memory_space<vmem>>
      %dma_start3A_179 = tpu.memref_squeeze %dma_start3A_178 : memref<1x1024xf32, #tpu.memory_space<vmem>> -> memref<1024xf32, #tpu.memory_space<vmem>>
      tpu.enqueue_dma source(%dma_start3A_179 : memref<1024xf32, #tpu.memory_space<vmem>>) target(%dma_start3A_176 : memref<1024xf32, #tpu.memory_space<hbm>>) target_semaphore(%arg7 : memref<!tpu.dma_semaphore, #tpu.memory_space<semaphore_mem>>)
      %slice3A_180 = vector.extract_strided_slice %get3A_28 {offsets = [9], sizes = [1], strides = [1]} : vector<16xi32> to vector<1xi32>
      %squeeze3A_181 = vector.extract %slice3A_180[0] : i32 from vector<1xi32>
      %add3A_182 = arith.addi %add3A, %mul3A_26 : i32
      %add3A_183 = arith.constant 9 : i32
      %add3A_184 = arith.addi %add3A_182, %add3A_183 : i32
      %dma_start3A_185 = arith.constant 0 : i32
      %dma_start3A_186 = tpu.memref_slice %arg6[%squeeze3A_181, %dma_start3A_185] : memref<2x1024xf32, #tpu.memory_space<vmem>> -> memref<1x1024xf32, #tpu.memory_space<vmem>>
      %dma_start3A_187 = tpu.memref_squeeze %dma_start3A_186 : memref<1x1024xf32, #tpu.memory_space<vmem>> -> memref<1024xf32, #tpu.memory_space<vmem>>
      %dma_start3A_188 = arith.constant 0 : i32
      %dma_start3A_189 = tpu.memref_slice %arg4[%add3A_184, %dma_start3A_188] : memref<16384x1024xf32, #tpu.memory_space<hbm>> -> memref<1x1024xf32, #tpu.memory_space<hbm>>
      %dma_start3A_190 = tpu.memref_squeeze %dma_start3A_189 : memref<1x1024xf32, #tpu.memory_space<hbm>> -> memref<1024xf32, #tpu.memory_space<hbm>>
      %dma_start3A_191 = arith.constant 0 : i32
      %dma_start3A_192 = tpu.memref_slice %arg4[%add3A_184, %dma_start3A_191] : memref<16384x1024xf32, #tpu.memory_space<hbm>> -> memref<1x1024xf32, #tpu.memory_space<hbm>>
      %dma_start3A_193 = tpu.memref_squeeze %dma_start3A_192 : memref<1x1024xf32, #tpu.memory_space<hbm>> -> memref<1024xf32, #tpu.memory_space<hbm>>
      %dma_start3A_194 = arith.constant 0 : i32
      %dma_start3A_195 = tpu.memref_slice %arg6[%squeeze3A_181, %dma_start3A_194] : memref<2x1024xf32, #tpu.memory_space<vmem>> -> memref<1x1024xf32, #tpu.memory_space<vmem>>
      %dma_start3A_196 = tpu.memref_squeeze %dma_start3A_195 : memref<1x1024xf32, #tpu.memory_space<vmem>> -> memref<1024xf32, #tpu.memory_space<vmem>>
      tpu.enqueue_dma source(%dma_start3A_196 : memref<1024xf32, #tpu.memory_space<vmem>>) target(%dma_start3A_193 : memref<1024xf32, #tpu.memory_space<hbm>>) target_semaphore(%arg7 : memref<!tpu.dma_semaphore, #tpu.memory_space<semaphore_mem>>)
      %slice3A_197 = vector.extract_strided_slice %get3A_28 {offsets = [10], sizes = [1], strides = [1]} : vector<16xi32> to vector<1xi32>
      %squeeze3A_198 = vector.extract %slice3A_197[0] : i32 from vector<1xi32>
      %add3A_199 = arith.addi %add3A, %mul3A_26 : i32
      %add3A_200 = arith.constant 10 : i32
      %add3A_201 = arith.addi %add3A_199, %add3A_200 : i32
      %dma_start3A_202 = arith.constant 0 : i32
      %dma_start3A_203 = tpu.memref_slice %arg6[%squeeze3A_198, %dma_start3A_202] : memref<2x1024xf32, #tpu.memory_space<vmem>> -> memref<1x1024xf32, #tpu.memory_space<vmem>>
      %dma_start3A_204 = tpu.memref_squeeze %dma_start3A_203 : memref<1x1024xf32, #tpu.memory_space<vmem>> -> memref<1024xf32, #tpu.memory_space<vmem>>
      %dma_start3A_205 = arith.constant 0 : i32
      %dma_start3A_206 = tpu.memref_slice %arg4[%add3A_201, %dma_start3A_205] : memref<16384x1024xf32, #tpu.memory_space<hbm>> -> memref<1x1024xf32, #tpu.memory_space<hbm>>
      %dma_start3A_207 = tpu.memref_squeeze %dma_start3A_206 : memref<1x1024xf32, #tpu.memory_space<hbm>> -> memref<1024xf32, #tpu.memory_space<hbm>>
      %dma_start3A_208 = arith.constant 0 : i32
      %dma_start3A_209 = tpu.memref_slice %arg4[%add3A_201, %dma_start3A_208] : memref<16384x1024xf32, #tpu.memory_space<hbm>> -> memref<1x1024xf32, #tpu.memory_space<hbm>>
      %dma_start3A_210 = tpu.memref_squeeze %dma_start3A_209 : memref<1x1024xf32, #tpu.memory_space<hbm>> -> memref<1024xf32, #tpu.memory_space<hbm>>
      %dma_start3A_211 = arith.constant 0 : i32
      %dma_start3A_212 = tpu.memref_slice %arg6[%squeeze3A_198, %dma_start3A_211] : memref<2x1024xf32, #tpu.memory_space<vmem>> -> memref<1x1024xf32, #tpu.memory_space<vmem>>
      %dma_start3A_213 = tpu.memref_squeeze %dma_start3A_212 : memref<1x1024xf32, #tpu.memory_space<vmem>> -> memref<1024xf32, #tpu.memory_space<vmem>>
      tpu.enqueue_dma source(%dma_start3A_213 : memref<1024xf32, #tpu.memory_space<vmem>>) target(%dma_start3A_210 : memref<1024xf32, #tpu.memory_space<hbm>>) target_semaphore(%arg7 : memref<!tpu.dma_semaphore, #tpu.memory_space<semaphore_mem>>)
      %slice3A_214 = vector.extract_strided_slice %get3A_28 {offsets = [11], sizes = [1], strides = [1]} : vector<16xi32> to vector<1xi32>
      %squeeze3A_215 = vector.extract %slice3A_214[0] : i32 from vector<1xi32>
      %add3A_216 = arith.addi %add3A, %mul3A_26 : i32
      %add3A_217 = arith.constant 11 : i32
      %add3A_218 = arith.addi %add3A_216, %add3A_217 : i32
      %dma_start3A_219 = arith.constant 0 : i32
      %dma_start3A_220 = tpu.memref_slice %arg6[%squeeze3A_215, %dma_start3A_219] : memref<2x1024xf32, #tpu.memory_space<vmem>> -> memref<1x1024xf32, #tpu.memory_space<vmem>>
      %dma_start3A_221 = tpu.memref_squeeze %dma_start3A_220 : memref<1x1024xf32, #tpu.memory_space<vmem>> -> memref<1024xf32, #tpu.memory_space<vmem>>
      %dma_start3A_222 = arith.constant 0 : i32
      %dma_start3A_223 = tpu.memref_slice %arg4[%add3A_218, %dma_start3A_222] : memref<16384x1024xf32, #tpu.memory_space<hbm>> -> memref<1x1024xf32, #tpu.memory_space<hbm>>
      %dma_start3A_224 = tpu.memref_squeeze %dma_start3A_223 : memref<1x1024xf32, #tpu.memory_space<hbm>> -> memref<1024xf32, #tpu.memory_space<hbm>>
      %dma_start3A_225 = arith.constant 0 : i32
      %dma_start3A_226 = tpu.memref_slice %arg4[%add3A_218, %dma_start3A_225] : memref<16384x1024xf32, #tpu.memory_space<hbm>> -> memref<1x1024xf32, #tpu.memory_space<hbm>>
      %dma_start3A_227 = tpu.memref_squeeze %dma_start3A_226 : memref<1x1024xf32, #tpu.memory_space<hbm>> -> memref<1024xf32, #tpu.memory_space<hbm>>
      %dma_start3A_228 = arith.constant 0 : i32
      %dma_start3A_229 = tpu.memref_slice %arg6[%squeeze3A_215, %dma_start3A_228] : memref<2x1024xf32, #tpu.memory_space<vmem>> -> memref<1x1024xf32, #tpu.memory_space<vmem>>
      %dma_start3A_230 = tpu.memref_squeeze %dma_start3A_229 : memref<1x1024xf32, #tpu.memory_space<vmem>> -> memref<1024xf32, #tpu.memory_space<vmem>>
      tpu.enqueue_dma source(%dma_start3A_230 : memref<1024xf32, #tpu.memory_space<vmem>>) target(%dma_start3A_227 : memref<1024xf32, #tpu.memory_space<hbm>>) target_semaphore(%arg7 : memref<!tpu.dma_semaphore, #tpu.memory_space<semaphore_mem>>)
      %slice3A_231 = vector.extract_strided_slice %get3A_28 {offsets = [12], sizes = [1], strides = [1]} : vector<16xi32> to vector<1xi32>
      %squeeze3A_232 = vector.extract %slice3A_231[0] : i32 from vector<1xi32>
      %add3A_233 = arith.addi %add3A, %mul3A_26 : i32
      %add3A_234 = arith.constant 12 : i32
      %add3A_235 = arith.addi %add3A_233, %add3A_234 : i32
      %dma_start3A_236 = arith.constant 0 : i32
      %dma_start3A_237 = tpu.memref_slice %arg6[%squeeze3A_232, %dma_start3A_236] : memref<2x1024xf32, #tpu.memory_space<vmem>> -> memref<1x1024xf32, #tpu.memory_space<vmem>>
      %dma_start3A_238 = tpu.memref_squeeze %dma_start3A_237 : memref<1x1024xf32, #tpu.memory_space<vmem>> -> memref<1024xf32, #tpu.memory_space<vmem>>
      %dma_start3A_239 = arith.constant 0 : i32
      %dma_start3A_240 = tpu.memref_slice %arg4[%add3A_235, %dma_start3A_239] : memref<16384x1024xf32, #tpu.memory_space<hbm>> -> memref<1x1024xf32, #tpu.memory_space<hbm>>
      %dma_start3A_241 = tpu.memref_squeeze %dma_start3A_240 : memref<1x1024xf32, #tpu.memory_space<hbm>> -> memref<1024xf32, #tpu.memory_space<hbm>>
      %dma_start3A_242 = arith.constant 0 : i32
      %dma_start3A_243 = tpu.memref_slice %arg4[%add3A_235, %dma_start3A_242] : memref<16384x1024xf32, #tpu.memory_space<hbm>> -> memref<1x1024xf32, #tpu.memory_space<hbm>>
      %dma_start3A_244 = tpu.memref_squeeze %dma_start3A_243 : memref<1x1024xf32, #tpu.memory_space<hbm>> -> memref<1024xf32, #tpu.memory_space<hbm>>
      %dma_start3A_245 = arith.constant 0 : i32
      %dma_start3A_246 = tpu.memref_slice %arg6[%squeeze3A_232, %dma_start3A_245] : memref<2x1024xf32, #tpu.memory_space<vmem>> -> memref<1x1024xf32, #tpu.memory_space<vmem>>
      %dma_start3A_247 = tpu.memref_squeeze %dma_start3A_246 : memref<1x1024xf32, #tpu.memory_space<vmem>> -> memref<1024xf32, #tpu.memory_space<vmem>>
      tpu.enqueue_dma source(%dma_start3A_247 : memref<1024xf32, #tpu.memory_space<vmem>>) target(%dma_start3A_244 : memref<1024xf32, #tpu.memory_space<hbm>>) target_semaphore(%arg7 : memref<!tpu.dma_semaphore, #tpu.memory_space<semaphore_mem>>)
      %slice3A_248 = vector.extract_strided_slice %get3A_28 {offsets = [13], sizes = [1], strides = [1]} : vector<16xi32> to vector<1xi32>
      %squeeze3A_249 = vector.extract %slice3A_248[0] : i32 from vector<1xi32>
      %add3A_250 = arith.addi %add3A, %mul3A_26 : i32
      %add3A_251 = arith.constant 13 : i32
      %add3A_252 = arith.addi %add3A_250, %add3A_251 : i32
      %dma_start3A_253 = arith.constant 0 : i32
      %dma_start3A_254 = tpu.memref_slice %arg6[%squeeze3A_249, %dma_start3A_253] : memref<2x1024xf32, #tpu.memory_space<vmem>> -> memref<1x1024xf32, #tpu.memory_space<vmem>>
      %dma_start3A_255 = tpu.memref_squeeze %dma_start3A_254 : memref<1x1024xf32, #tpu.memory_space<vmem>> -> memref<1024xf32, #tpu.memory_space<vmem>>
      %dma_start3A_256 = arith.constant 0 : i32
      %dma_start3A_257 = tpu.memref_slice %arg4[%add3A_252, %dma_start3A_256] : memref<16384x1024xf32, #tpu.memory_space<hbm>> -> memref<1x1024xf32, #tpu.memory_space<hbm>>
      %dma_start3A_258 = tpu.memref_squeeze %dma_start3A_257 : memref<1x1024xf32, #tpu.memory_space<hbm>> -> memref<1024xf32, #tpu.memory_space<hbm>>
      %dma_start3A_259 = arith.constant 0 : i32
      %dma_start3A_260 = tpu.memref_slice %arg4[%add3A_252, %dma_start3A_259] : memref<16384x1024xf32, #tpu.memory_space<hbm>> -> memref<1x1024xf32, #tpu.memory_space<hbm>>
      %dma_start3A_261 = tpu.memref_squeeze %dma_start3A_260 : memref<1x1024xf32, #tpu.memory_space<hbm>> -> memref<1024xf32, #tpu.memory_space<hbm>>
      %dma_start3A_262 = arith.constant 0 : i32
      %dma_start3A_263 = tpu.memref_slice %arg6[%squeeze3A_249, %dma_start3A_262] : memref<2x1024xf32, #tpu.memory_space<vmem>> -> memref<1x1024xf32, #tpu.memory_space<vmem>>
      %dma_start3A_264 = tpu.memref_squeeze %dma_start3A_263 : memref<1x1024xf32, #tpu.memory_space<vmem>> -> memref<1024xf32, #tpu.memory_space<vmem>>
      tpu.enqueue_dma source(%dma_start3A_264 : memref<1024xf32, #tpu.memory_space<vmem>>) target(%dma_start3A_261 : memref<1024xf32, #tpu.memory_space<hbm>>) target_semaphore(%arg7 : memref<!tpu.dma_semaphore, #tpu.memory_space<semaphore_mem>>)
      %slice3A_265 = vector.extract_strided_slice %get3A_28 {offsets = [14], sizes = [1], strides = [1]} : vector<16xi32> to vector<1xi32>
      %squeeze3A_266 = vector.extract %slice3A_265[0] : i32 from vector<1xi32>
      %add3A_267 = arith.addi %add3A, %mul3A_26 : i32
      %add3A_268 = arith.constant 14 : i32
      %add3A_269 = arith.addi %add3A_267, %add3A_268 : i32
      %dma_start3A_270 = arith.constant 0 : i32
      %dma_start3A_271 = tpu.memref_slice %arg6[%squeeze3A_266, %dma_start3A_270] : memref<2x1024xf32, #tpu.memory_space<vmem>> -> memref<1x1024xf32, #tpu.memory_space<vmem>>
      %dma_start3A_272 = tpu.memref_squeeze %dma_start3A_271 : memref<1x1024xf32, #tpu.memory_space<vmem>> -> memref<1024xf32, #tpu.memory_space<vmem>>
      %dma_start3A_273 = arith.constant 0 : i32
      %dma_start3A_274 = tpu.memref_slice %arg4[%add3A_269, %dma_start3A_273] : memref<16384x1024xf32, #tpu.memory_space<hbm>> -> memref<1x1024xf32, #tpu.memory_space<hbm>>
      %dma_start3A_275 = tpu.memref_squeeze %dma_start3A_274 : memref<1x1024xf32, #tpu.memory_space<hbm>> -> memref<1024xf32, #tpu.memory_space<hbm>>
      %dma_start3A_276 = arith.constant 0 : i32
      %dma_start3A_277 = tpu.memref_slice %arg4[%add3A_269, %dma_start3A_276] : memref<16384x1024xf32, #tpu.memory_space<hbm>> -> memref<1x1024xf32, #tpu.memory_space<hbm>>
      %dma_start3A_278 = tpu.memref_squeeze %dma_start3A_277 : memref<1x1024xf32, #tpu.memory_space<hbm>> -> memref<1024xf32, #tpu.memory_space<hbm>>
      %dma_start3A_279 = arith.constant 0 : i32
      %dma_start3A_280 = tpu.memref_slice %arg6[%squeeze3A_266, %dma_start3A_279] : memref<2x1024xf32, #tpu.memory_space<vmem>> -> memref<1x1024xf32, #tpu.memory_space<vmem>>
      %dma_start3A_281 = tpu.memref_squeeze %dma_start3A_280 : memref<1x1024xf32, #tpu.memory_space<vmem>> -> memref<1024xf32, #tpu.memory_space<vmem>>
      tpu.enqueue_dma source(%dma_start3A_281 : memref<1024xf32, #tpu.memory_space<vmem>>) target(%dma_start3A_278 : memref<1024xf32, #tpu.memory_space<hbm>>) target_semaphore(%arg7 : memref<!tpu.dma_semaphore, #tpu.memory_space<semaphore_mem>>)
      %slice3A_282 = vector.extract_strided_slice %get3A_28 {offsets = [15], sizes = [1], strides = [1]} : vector<16xi32> to vector<1xi32>
      %squeeze3A_283 = vector.extract %slice3A_282[0] : i32 from vector<1xi32>
      %add3A_284 = arith.addi %add3A, %mul3A_26 : i32
      %add3A_285 = arith.constant 15 : i32
      %add3A_286 = arith.addi %add3A_284, %add3A_285 : i32
      %dma_start3A_287 = arith.constant 0 : i32
      %dma_start3A_288 = tpu.memref_slice %arg6[%squeeze3A_283, %dma_start3A_287] : memref<2x1024xf32, #tpu.memory_space<vmem>> -> memref<1x1024xf32, #tpu.memory_space<vmem>>
      %dma_start3A_289 = tpu.memref_squeeze %dma_start3A_288 : memref<1x1024xf32, #tpu.memory_space<vmem>> -> memref<1024xf32, #tpu.memory_space<vmem>>
      %dma_start3A_290 = arith.constant 0 : i32
      %dma_start3A_291 = tpu.memref_slice %arg4[%add3A_286, %dma_start3A_290] : memref<16384x1024xf32, #tpu.memory_space<hbm>> -> memref<1x1024xf32, #tpu.memory_space<hbm>>
      %dma_start3A_292 = tpu.memref_squeeze %dma_start3A_291 : memref<1x1024xf32, #tpu.memory_space<hbm>> -> memref<1024xf32, #tpu.memory_space<hbm>>
      %dma_start3A_293 = arith.constant 0 : i32
      %dma_start3A_294 = tpu.memref_slice %arg4[%add3A_286, %dma_start3A_293] : memref<16384x1024xf32, #tpu.memory_space<hbm>> -> memref<1x1024xf32, #tpu.memory_space<hbm>>
      %dma_start3A_295 = tpu.memref_squeeze %dma_start3A_294 : memref<1x1024xf32, #tpu.memory_space<hbm>> -> memref<1024xf32, #tpu.memory_space<hbm>>
      %dma_start3A_296 = arith.constant 0 : i32
      %dma_start3A_297 = tpu.memref_slice %arg6[%squeeze3A_283, %dma_start3A_296] : memref<2x1024xf32, #tpu.memory_space<vmem>> -> memref<1x1024xf32, #tpu.memory_space<vmem>>
      %dma_start3A_298 = tpu.memref_squeeze %dma_start3A_297 : memref<1x1024xf32, #tpu.memory_space<vmem>> -> memref<1024xf32, #tpu.memory_space<vmem>>
      tpu.enqueue_dma source(%dma_start3A_298 : memref<1024xf32, #tpu.memory_space<vmem>>) target(%dma_start3A_295 : memref<1024xf32, #tpu.memory_space<hbm>>) target_semaphore(%arg7 : memref<!tpu.dma_semaphore, #tpu.memory_space<semaphore_mem>>)
    }
    %dma_wait3A_18 = arith.constant 0 : i32
    %dma_wait3A_19 = tpu.memref_slice %arg4[%add3A, %dma_wait3A_18] : memref<16384x1024xf32, #tpu.memory_space<hbm>> -> memref<480x1024xf32, #tpu.memory_space<hbm>>
    %dma_wait3A_20 = arith.constant 0 : i32
    %dma_wait3A_21 = tpu.memref_slice %arg4[%add3A, %dma_wait3A_20] : memref<16384x1024xf32, #tpu.memory_space<hbm>> -> memref<480x1024xf32, #tpu.memory_space<hbm>>
    tpu.wait_dma2 semaphore(%arg7 : memref<!tpu.dma_semaphore, #tpu.memory_space<semaphore_mem>>) src(%dma_wait3A_21 : memref<480x1024xf32, #tpu.memory_space<hbm>>) dst(%dma_wait3A_19 : memref<480x1024xf32, #tpu.memory_space<hbm>>)
    %eq3A = arith.constant 1 : i32
    %eq3A_22 = arith.cmpi eq, %arg0, %eq3A : i32
    %convert_element_type3A = arith.extui %eq3A_22 : i1 to i32
    %cond3A = arith.constant 0 : i32
    %cond3A_23 = arith.cmpi ne, %convert_element_type3A, %cond3A : i32
    scf.if %cond3A_23 {
      %dma_wait3A_24 = arith.constant 0 : i32
      %dma_wait3A_25 = tpu.memref_slice %arg4[%add3A, %dma_wait3A_24] : memref<16384x1024xf32, #tpu.memory_space<hbm>> -> memref<64x1024xf32, #tpu.memory_space<hbm>>
      %dma_wait3A_26 = arith.constant 0 : i32
      %dma_wait3A_27 = tpu.memref_slice %arg4[%add3A, %dma_wait3A_26] : memref<16384x1024xf32, #tpu.memory_space<hbm>> -> memref<64x1024xf32, #tpu.memory_space<hbm>>
      tpu.wait_dma2 semaphore(%arg7 : memref<!tpu.dma_semaphore, #tpu.memory_space<semaphore_mem>>) src(%dma_wait3A_27 : memref<64x1024xf32, #tpu.memory_space<hbm>>) dst(%dma_wait3A_25 : memref<64x1024xf32, #tpu.memory_space<hbm>>)
    } else {
    }
    return
  }
}

</mosaic_0001>

<sc_bundles>
// kernel: kernel.3.cloned.1.call-start
scs
__scs_entry_jumppad:
0x0: {  	(pc) =	sbr.rel $0x88, $3  }
0x1: {  	(tag) =	ssettag $0x0;
	lr =	simm.s32 $0x1  }
0x2: {  	[smem:$0x3F9F] =	sst lr;
	_ =	strace $0xD0000000  }
0x3: {  	_ = 	snop  }
0x4: {  	_ = 	snop  }
0x5: {  	_ = 	snop  }
0x6: {  	_ = 	snop  }
0x7: {  	_ = 	snop  }
__scs_overlays_trampoline_lowered:
0x8: {  	[smem:$0x3FAE] =	sst s0  }
0x9: {  	[smem:$0x3FAF] =	sst s1  }
0xa: {  	[smem:$0x3FB0] =	sst s2  }
0xb: {  	[smem:$0x3FB1] =	sst s3  }
0xc: {  	[smem:$0x3FB2] =	sst s4  }
0xd: {  	[smem:$0x3FB3] =	sst s5  }
0xe: {  	[smem:$0x3FB4] =	sst s6  }
0xf: {  	[smem:$0x3FB5] =	sst s7  }
0x10: {  	[smem:$0x3FB6] =	sst s8  }
0x11: {  	[smem:$0x3FB7] =	sst s9;
	s0 =	simm.s32 @!p0 $0x0  }
0x12: {  	s1 =	sld [smem:$0x3F9D];
	s0 =	simm.s32 @p0 $0x1  }
0x13: {  	[smem:$0x3FB8] =	sst s0;
	s0 =	simm.s32 @!p1 $0x0  }
0x14: {  	s2 =	sld [smem:$0x3F9C];
	s0 =	simm.s32 @p1 $0x1  }
0x15: {  	[smem:$0x3FB9] =	sst s0;
	s0 =	simm.s32 @!p2 $0x0  }
0x16: {  	s3 =	sld [smem:$0x3FDB];
	s0 =	simm.s32 @p2 $0x1  }
0x17: {  	s4 =	simm.s32 $0x1BF5;
	[smem:$0x3FBB] =	sst s0  }
0x18: {  	s0 =	sld [smem:$0x3F9E];
	_ =	swait.ge [sflag:s4], $0x0  }
0x19: {  	s7 =	sld [smem:$0x3F9F]  }
0x1a: {  	s8 =	sadd.s32 $0xFFFFE003, lr  }
0x1b: {  	s9 =	sadd.s32 $0xFFFFFEF7, lr;
	s5 =	simm.s32 $0xFFFFFFFF;
	p2 =	slt.u32 s8, $0xFFFFF086  }
0x1c: {  	p1 =	slt.u32 s9, $0xF7A;
	s5 =	simm.s32 @!p2 $0x0  }
0x1d: {  	s5 =	simm.s32 @p1 $0x1;
	p0 =	seq.s32 s7, s2  }
0x1e: {  	s7 =	smul.u32 @!p0 $0xF7A, s2;
	p2 =	seq.s32 @!p0 s5, $0x0  }
0x1f: {  	s9 =	smul.u32 $0xF7A, s1;
	s8 =	simm.s32 @!p0 $0x1BF5;
	p2 =	por !p2, p0  }
0x20: {  	[sflag:s8] =	ssyncset.s32 @!p0 $0xFFFFF086;
	s6 =	sadd.s32 @!p0 s3, s7;
	s7 =	simm.s32 @!p0 $0x108  }
0x21: {  	s3 =	sadd.s32 s3, s9;
	s6 =	sadd.s32 @!p0 $0x88, s6;
	s7 =	simm.s32 @p2 $0x1082  }
0x22: {  	[simem:s7], [sflag:s8] =	dma.local @!p0 [hbm:s6], $0xF7A  }
0x23: {  	s9 =	sor.u32 $0xD0000000, s2;
	s6 =	simm.s32 $0x108;
	_ =	swait.ge @!p0 [sflag:s8], $0x0  }
0x24: {  	s3 =	sadd.s32 $0x88, s3;
	s6 =	simm.s32 @!p1 $0x1082;
	[sflag:s4] =	ssyncset.s32 $0xFFFFF086  }
0x25: {  	[simem:s6], [sflag:s4] =	dma.local [hbm:s3], $0xF7A  }
0x26: {  	[smem:$0x3F9F] =	sst s1;
	(tag) =	ssettag s2;
	_ =	strace s9  }
0x27: {  	s1 =	sld [smem:$0x3FAF]  }
0x28: {  	s2 =	sld [smem:$0x3FB0]  }
0x29: {  	s4 =	sld [smem:$0x3FB2]  }
0x2a: {  	p0 =	seq.s32 s5, $0x0;
	s5 =	sld [smem:$0x3FB3]  }
0x2b: {  	s6 =	sld [smem:$0x3FB4]  }
0x2c: {  	s7 =	sld [smem:$0x3FB5]  }
0x2d: {  	s3 =	simm.s32 $0x108;
	s8 =	sld [smem:$0x3FB6]  }
0x2e: {  	s3 =	simm.s32 @!p0 $0x1082;
	s9 =	sld [smem:$0x3FB7]  }
0x2f: {  	lr =	sadd.s32 s0, s3;
	s0 =	sld [smem:$0x3FAE]  }
0x30: {  	s3 =	sld [smem:$0x3FB1]  }
0x31: {  	[smem:$0x3FBA] =	sst s10  }
0x32: {  	s10 =	sld [smem:$0x3FB8];
	_ =	sdelay $0x3  }
0x33: {  	p0 =	seq.s32 s10, $0x1;
	s10 =	sld [smem:$0x3FBA];
	_ =	sdelay $0x3  }
0x34: {  	[smem:$0x3FBA] =	sst s10  }
0x35: {  	s10 =	sld [smem:$0x3FB9];
	_ =	sdelay $0x3  }
0x36: {  	p1 =	seq.s32 s10, $0x1;
	s10 =	sld [smem:$0x3FBA];
	_ =	sdelay $0x3  }
0x37: {  	[smem:$0x3FBA] =	sst s10  }
0x38: {  	s10 =	sld [smem:$0x3FBB]  }
0x39: {  	_ = 	snop;
	(pc) =	sbr.ind lr, $3  }
0x3a: {  	_ = 	snop  }
0x3b: {  	_ = 	snop  }
0x3c: {  	p2 =	seq.s32 s10, $0x1;
	s10 =	sld [smem:$0x3FBA]  }
0x3d: {  	_ =	shalt  }
0x3e: {  	_ =	shalt  }
0x3f: {  	_ =	shalt  }
0x40: {  	_ =	shalt  }
0x41: {  	_ =	shalt  }
0x42: {  	_ =	shalt  }
0x43: {  	_ =	shalt  }
0x44: {  	_ =	shalt  }
0x45: {  	_ =	shalt  }
0x46: {  	_ =	shalt  }
0x47: {  	_ =	shalt  }
0x48: {  	_ =	shalt  }
0x49: {  	_ =	shalt  }
0x4a: {  	_ =	shalt  }
0x4b: {  	_ =	shalt  }
0x4c: {  	_ =	shalt  }
0x4d: {  	_ =	shalt  }
0x4e: {  	_ =	shalt  }
0x4f: {  	_ =	shalt  }
0x50: {  	_ =	shalt  }
0x51: {  	_ =	shalt  }
0x52: {  	_ =	shalt  }
0x53: {  	_ =	shalt  }
0x54: {  	_ =	shalt  }
0x55: {  	_ =	shalt  }
0x56: {  	_ =	shalt  }
0x57: {  	_ =	shalt  }
0x58: {  	_ =	shalt  }
0x59: {  	_ =	shalt  }
0x5a: {  	_ =	shalt  }
0x5b: {  	_ =	shalt  }
0x5c: {  	_ =	shalt  }
0x5d: {  	_ =	shalt  }
0x5e: {  	_ =	shalt  }
0x5f: {  	_ =	shalt  }
0x60: {  	_ =	shalt  }
0x61: {  	_ =	shalt  }
0x62: {  	_ =	shalt  }
0x63: {  	_ =	shalt  }
0x64: {  	_ =	shalt  }
0x65: {  	_ =	shalt  }
0x66: {  	_ =	shalt  }
0x67: {  	_ =	shalt  }
0x68: {  	_ =	shalt  }
0x69: {  	_ =	shalt  }
0x6a: {  	_ =	shalt  }
0x6b: {  	_ =	shalt  }
0x6c: {  	_ =	shalt  }
0x6d: {  	_ =	shalt  }
0x6e: {  	_ =	shalt  }
0x6f: {  	_ =	shalt  }
0x70: {  	_ =	shalt  }
0x71: {  	_ =	shalt  }
0x72: {  	_ =	shalt  }
0x73: {  	_ =	shalt  }
0x74: {  	_ =	shalt  }
0x75: {  	_ =	shalt  }
0x76: {  	_ =	shalt  }
0x77: {  	_ =	shalt  }
0x78: {  	_ =	shalt  }
0x79: {  	_ =	shalt  }
0x7a: {  	_ =	shalt  }
0x7b: {  	_ =	shalt  }
0x7c: {  	_ =	shalt  }
0x7d: {  	_ =	shalt  }
0x7e: {  	_ =	shalt  }
0x7f: {  	_ =	shalt  }
0x80: {  	_ =	shalt  }
0x81: {  	_ =	shalt  }
0x82: {  	_ =	shalt  }
0x83: {  	_ =	shalt  }
0x84: {  	_ =	shalt  }
0x85: {  	_ =	shalt  }
0x86: {  	_ =	shalt  }
0x87: {  	_ =	shalt  }
.Lfunc_end0:
.L_simem_size_0:
called_computation_lowered:
.L_overlay_start_0:
0x88: {  	s2 =	sld [smem:$0x3FD9]  }
0x89: {  	s3 =	sld [smem:$0x3FFE];
	_ =	sdelay $0x1  }
0x8a: {  	s1 =	srdreg.scid  }
0x8b: {  	s0 =	sand.u32 $0x1, s1  }
0x8c: {  	s17 =	sshll.u32 s0, $0xA;
	s2 =	sadd.s32 s3, s2  }
0x8d: {  	s2 =	sadd.s32 s2, s17  }
0x8e: {  	[smem:$0x3FC6] =	sst s2  }
0x8f: {  	_ = 	snop  }
0x90: {  	s2 =	sld [smem:$0x3FC8]  }
0x91: {  	s18 =	sld [smem:$0x3FD0];
	(tm) =	ssettm $0x1  }
0x92: {  	s4 =	sld [smem:$0x3FFB];
	_ =	sdelay $0x3  }
0x93: {  	_ =	strace s4  }
0x94: {  	s4 =	sld [smem:$0x3FFC];
	_ =	sdelay $0x3  }
0x95: {  	_ =	strace s4  }
0x96: {  	s4 =	sld [smem:$0x3FFD];
	_ =	sdelay $0x3  }
0x97: {  	_ =	strace s4  }
0x98: {  	_ =	strace $0x8FFFFFFF  }
0x99: {  	s19 =	sld [smem:$0x3FDB];
	_ =	sdelay $0x1  }
0x9a: {  	s5 =	simm.s32 $_scs_section_size  }
0x9b: {  	s6 =	simm.s32 $_size__tile_overlayer_lowered;
	s7 =	simm.s32 $_tile_overlayer_lowered  }
0x9c: {  	s22 =	simm.s32 $0x1BFF;
	s21 =	sshll.u32 s7, $0x1;
	s4 =	sadd.s32 s5, s19  }
0x9d: {  	s8 =	simm.s32 $0x0;
	s20 =	sshll.u32 s6, $0x1;
	s6 =	sadd.s32 s21, s4  }
0x9e: {  	[timem:s8], [sflag:s22] =	dma.local [hbm:s6], s20  }
0x9f: {  	_ =	swait.ge [sflag:s22], s20  }
0xa0: {  	s5 =	ssub.s32 $0x0, s20;
	[sflag:s22] =	ssyncset.done $0x0  }
0xa1: {  	[sflag:s22] =	ssyncadd.s32 s5;
	_ =	sdelay $0x1  }
0xa2: {  	s23 =	simm.s32 $0x1B8B  }
0xa3: {  	_ =	swait.ge [sflag:s23], $0x1  }
0xa4: {  	[sflag:s23] =	ssyncset.done $0x0  }
0xa5: {  	s25 =	simm.s32 $0x1B8E;
	s24 =	sld [smem:$0x3FFE];
	[sflag:s23] =	ssyncadd.s32 $0xFFFFFFFF  }
0xa6: {  	s26 =	simm.s32 $execute0_lowered;
	[smem:$0x3FD2] =	sst s25  }
0xa7: {  	s6 =	sshll.u32 s26, $0x1;
	_ =	strace $0x80000046;
	[dreg:$0x1] =	wrdreg $0xFFFFFFFF  }
0xa8: {  	s28 =	simm.s32 $_size_execute0_lowered;
	s4 =	sadd.s32 s4, s6;
	[dreg:$0x0] =	wrdreg $0x0  }
0xa9: {  	s6 =	sshll.u32 s28, $0x1;
	[dreg:$0x2] =	wrdreg s4  }
0xaa: {  	[dreg:$0x3] =	wrdreg s6  }
0xab: {  	[dreg:$0x4] =	wrdreg $0xC0  }
0xac: {  	_ =	task [dreg:s8], $0x5FFFF  }
0xad: {  	[dreg:$0x1] =	wrdreg $0xFFFFFFFF  }
0xae: {  	[dreg:$0x0] =	wrdreg $0x60  }
0xaf: {  	[dreg:$0x2] =	wrdreg s24  }
0xb0: {  	[dreg:$0x3] =	wrdreg s2  }
0xb1: {  	[dreg:$0x4] =	wrdreg s18  }
0xb2: {  	[dreg:$0x5] =	wrdreg $0x9  }
0xb3: {  	_ =	task.clear_ibuf [dreg:s8], $0x6FFFF;
	_ =	strace $0x90000046  }
0xb4: {  	s29 =	simm.s32 $0x9;
	_ =	strace $0x80000048  }
0xb5: {  	_ =	swait.ge [sflag:s29], $0x1  }
0xb6: {  	[sflag:s29] =	ssyncadd.s32 $0xFFFFFFFF  }
0xb7: {  	_ =	strace $0x90000048  }
0xb8: {  	_ =	sfence  }
0xb9: {  	s30 =	sld [smem:$0x0];
	_ =	sdelay $0x2  }
0xba: {  	s31 =	sshll.u32 s1, $0xD;
	s1 =	sshrl.u32 s1, $0x2  }
0xbb: {  	s3 =	sand.u32 $0x4000, s31;
	s1 =	sadd.s32 s1, s30  }
0xbc: {  	s0 =	sor.u32 s3, s0;
	s1 =	sshll.u32 s1, $0x11  }
0xbd: {  	s0 =	sor.u32 s1, s0  }
0xbe: {  	s0 =	sadd.s32 $0x8F2B, s0  }
0xbf: {  	[sflag:s0] =	ssyncadd.remote.s32 $0x1  }
0xc0: {  	_ =	sfence.sel $0xFFFF  }
0xc1: {  	[dreg:$0x0] =	wrdreg $0xFFFFFFFF;
	(pc) =	sbr.abs _section_cstart, $3  }
0xc2: {  	[dreg:$0x1] =	wrdreg $0xFFFFFFFF  }
0xc3: {  	_ =	task.clear_ibuf [dreg:s8], $0x2FFFF;
	_ =	strace $0x9FFFFFFF  }
0xc4: {  	(tm) =	ssettm $0x7FFFFFFF  }
0xc5: {  	_ =	shalt  }
tec
execute0_lowered:
.L_overlay_start_1:
0x0: {  	(tag) =	ssettag $0x1  }
0x1: {  	s4 =	rddreg [dreg:$0x0]  }
0x2: {  	s2 =	rddreg [dreg:$0x1]  }
0x3: {  	s6 =	rddreg [dreg:$0x2]  }
0x4: {  	s0 =	srdreg.scid;
	s1 =	rddreg [dreg:$0x3]  }
0x5: {  	s3 =	simm.s32 $0x0;
	s9 =	sand.u32 $0x1, s0;
	s0 =	stileid.u32  }
0x6: {  	[smem:$0x7FF] =	sst s3;
	s5 =	smul.u32 $0x1E0, s9  }
0x7: {  	s7 =	sshll.u32 s0, $0xA;
	_ =	strace $0x80000047;
	s29 =	ssub.s32 $0x2, s9  }
0x8: {  	s30 =	sshll.u32 s9, $0xD;
	s8 =	sshll.u32 s0, $0x11;
	s10 =	smul.u32 $0xF000, s9  }
0x9: {  	p0 =	seq.s32 s9, $0x0;
	s9 =	simm.s32 $0x1;
	s6 =	sadd.s32 s8, s6  }
0xa: {  	s31 =	sshrl.u32 s29, $0x1;
	s5 =	sor.u32 s5, s7;
	s7 =	sadd.s32 $0xF000, s30  }
0xb: {  	s8 =	simm.s32 $0x3;
	s6 =	sadd.s32 s10, s6;
	[dreg:$0x5] =	wrdreg s7  }
0xc: {  	s10 =	simm.s32 $0x0;
	s5 =	sshrl.u32 s5, $0x3;
	[dreg:$0x4] =	wrdreg s6  }
0xd: {  	s6 =	simm.s32 $0x280;
	s4 =	sadd.s32 s5, s4;
	s5 =	ssub.s32 s29, s31  }
0xe: {  	s7 =	simm.s32 $0x2;
	s4 =	sadd.s32 $0x400, s4;
	s5 =	smax.u32 s5, $0x1  }
.LBB2_1:
0xf: {  	[tilespmem:s6], [sflag:$0x2] =	stream.linear.gather [hbm4b:s2+s3], $0x800, $0x38;
	[tilespmem:$0xA80] =	vst v63  }
0x10: {  	_ = 	snop  }
0x11: {  	[tilespmem:s3], [sflag:$0x3] =	stream.linear.gather [hbm4b:s4+s3], $0x220, $0x38;
	[tilespmem:$0xA80] =	vst v63  }
0x12: {  	_ =	swait.ge [sflag:s7], $0x800  }
0x13: {  	[sflag:s7] =	ssyncset.done $0x0  }
0x14: {  	[sflag:s7] =	ssyncadd.s32 $0xFFFFF800  }
0x15: {  	_ =	swait.ge [sflag:s8], $0x220  }
0x16: {  	[sflag:s8] =	ssyncset.done $0x0  }
0x17: {  	s11 =	simm.s32 $0x0;
	s12 =	simm.s32 $0x0;
	[sflag:s8] =	ssyncadd.s32 $0xFFFFFDE0  }
.LBB2_2:
0x18: {  	v0 =	vld [tilespmem:s11+$0x0];
	_ =	sdelay $0x4  }
0x19: {  	(v2sf) =	vpush v0, $0x0;
	_ =	sdelay $0xe  }
0x1a: {  	s13 =	spop (v2sf)  }
0x1b: {  	(v2sf) =	vpush v0, $0x1;
	s15 =	sshll.u32 s13, $0xA;
	s13 =	sshll.u32 s13, $0x7  }
0x1c: {  	s15 =	sand.u32 $0xFFFFF800, s15;
	s13 =	sand.u32 $0x80, s13  }
0x1d: {  	s14 =	rddreg [dreg:$0x4];
	s15 =	sor.u32 s13, s15  }
0x1e: {  	s13 =	sadd.s32 s12, s14;
	s19 =	sadd.s32 $0x280, s15  }
0x1f: {  	[hbm4b:s13+s3] =	stream.linear.scatter [tilespmem:s19], [sflag:$0x1], $0x80, $0x38;
	[tilespmem:$0xA80] =	vst v63  }
0x20: {  	s20 =	sadd.s32 $0x380, s15;
	s16 =	sadd.s32 $0x80, s13  }
0x21: {  	[hbm4b:s16+s3] =	stream.linear.scatter [tilespmem:s20], [sflag:$0x1], $0x80, $0x38;
	[tilespmem:$0xA80] =	vst v63  }
0x22: {  	s21 =	sadd.s32 $0x480, s15;
	s22 =	sadd.s32 $0x100, s13  }
0x23: {  	[hbm4b:s22+s3] =	stream.linear.scatter [tilespmem:s21], [sflag:$0x1], $0x80, $0x38;
	[tilespmem:$0xA80] =	vst v63  }
0x24: {  	s23 =	sadd.s32 $0x580, s15;
	s24 =	sadd.s32 $0x180, s13  }
0x25: {  	[hbm4b:s24+s3] =	stream.linear.scatter [tilespmem:s23], [sflag:$0x1], $0x80, $0x38;
	[tilespmem:$0xA80] =	vst v63  }
0x26: {  	s25 =	sadd.s32 $0x680, s15;
	s26 =	sadd.s32 $0x200, s13  }
0x27: {  	[hbm4b:s26+s3] =	stream.linear.scatter [tilespmem:s25], [sflag:$0x1], $0x80, $0x38;
	[tilespmem:$0xA80] =	vst v63  }
0x28: {  	s28 =	sadd.s32 $0x780, s15;
	s29 =	sadd.s32 $0x280, s13;
	s30 =	sadd.s32 $0x880, s15  }
0x29: {  	[hbm4b:s29+s3] =	stream.linear.scatter [tilespmem:s28], [sflag:$0x1], $0x80, $0x38;
	[tilespmem:$0xA80] =	vst v63  }
0x2a: {  	s31 =	sadd.s32 $0x300, s13;
	s15 =	sadd.s32 $0x980, s15;
	s17 =	spop (v2sf)  }
0x2b: {  	[hbm4b:s31+s3] =	stream.linear.scatter [tilespmem:s30], [sflag:$0x1], $0x80, $0x38;
	[tilespmem:$0xA80] =	vst v63  }
0x2c: {  	s16 =	sadd.s32 $0x380, s13;
	s18 =	sshll.u32 s17, $0xA;
	s14 =	sshll.u32 s17, $0x7  }
0x2d: {  	[hbm4b:s16+s3] =	stream.linear.scatter [tilespmem:s15], [sflag:$0x1], $0x80, $0x38;
	[tilespmem:$0xA80] =	vst v63  }
0x2e: {  	s14 =	sand.u32 $0x80, s14;
	s15 =	sand.u32 $0xFFFFF800, s18  }
0x2f: {  	(v2sf) =	vpush v0, $0x2;
	s14 =	sor.u32 s14, s15  }
0x30: {  	s19 =	sadd.s32 $0x10, s13;
	s20 =	sadd.s32 $0x280, s14  }
0x31: {  	[hbm4b:s19+s3] =	stream.linear.scatter [tilespmem:s20], [sflag:$0x1], $0x80, $0x38;
	[tilespmem:$0xA80] =	vst v63  }
0x32: {  	s22 =	sadd.s32 $0x90, s13;
	s21 =	sadd.s32 $0x380, s14  }
0x33: {  	[hbm4b:s22+s3] =	stream.linear.scatter [tilespmem:s21], [sflag:$0x1], $0x80, $0x38;
	[tilespmem:$0xA80] =	vst v63  }
0x34: {  	s24 =	sadd.s32 $0x110, s13;
	s23 =	sadd.s32 $0x480, s14  }
0x35: {  	[hbm4b:s24+s3] =	stream.linear.scatter [tilespmem:s23], [sflag:$0x1], $0x80, $0x38;
	[tilespmem:$0xA80] =	vst v63  }
0x36: {  	s26 =	sadd.s32 $0x190, s13;
	s25 =	sadd.s32 $0x580, s14  }
0x37: {  	[hbm4b:s26+s3] =	stream.linear.scatter [tilespmem:s25], [sflag:$0x1], $0x80, $0x38;
	[tilespmem:$0xA80] =	vst v63  }
0x38: {  	s29 =	sadd.s32 $0x210, s13;
	s28 =	sadd.s32 $0x680, s14  }
0x39: {  	[hbm4b:s29+s3] =	stream.linear.scatter [tilespmem:s28], [sflag:$0x1], $0x80, $0x38;
	[tilespmem:$0xA80] =	vst v63  }
0x3a: {  	s31 =	sadd.s32 $0x290, s13;
	s30 =	sadd.s32 $0x780, s14  }
0x3b: {  	[hbm4b:s31+s3] =	stream.linear.scatter [tilespmem:s30], [sflag:$0x1], $0x80, $0x38;
	[tilespmem:$0xA80] =	vst v63  }
0x3c: {  	s17 =	sadd.s32 $0x310, s13;
	s16 =	sadd.s32 $0x880, s14  }
0x3d: {  	[hbm4b:s17+s3] =	stream.linear.scatter [tilespmem:s16], [sflag:$0x1], $0x80, $0x38;
	[tilespmem:$0xA80] =	vst v63  }
0x3e: {  	s18 =	sadd.s32 $0x390, s13;
	s14 =	sadd.s32 $0x980, s14;
	s19 =	spop (v2sf)  }
0x3f: {  	[hbm4b:s18+s3] =	stream.linear.scatter [tilespmem:s14], [sflag:$0x1], $0x80, $0x38;
	[tilespmem:$0xA80] =	vst v63  }
0x40: {  	s20 =	sshll.u32 s19, $0xA;
	s14 =	sshll.u32 s19, $0x7  }
0x41: {  	s15 =	sand.u32 $0xFFFFF800, s20;
	s14 =	sand.u32 $0x80, s14  }
0x42: {  	(v2sf) =	vpush v0, $0x3;
	s14 =	sor.u32 s14, s15  }
0x43: {  	s21 =	sadd.s32 $0x20, s13;
	s22 =	sadd.s32 $0x280, s14  }
0x44: {  	[hbm4b:s21+s3] =	stream.linear.scatter [tilespmem:s22], [sflag:$0x1], $0x80, $0x38;
	[tilespmem:$0xA80] =	vst v63  }
0x45: {  	s24 =	sadd.s32 $0xA0, s13;
	s23 =	sadd.s32 $0x380, s14  }
0x46: {  	[hbm4b:s24+s3] =	stream.linear.scatter [tilespmem:s23], [sflag:$0x1], $0x80, $0x38;
	[tilespmem:$0xA80] =	vst v63  }
0x47: {  	s26 =	sadd.s32 $0x120, s13;
	s25 =	sadd.s32 $0x480, s14  }
0x48: {  	[hbm4b:s26+s3] =	stream.linear.scatter [tilespmem:s25], [sflag:$0x1], $0x80, $0x38;
	[tilespmem:$0xA80] =	vst v63  }
0x49: {  	s29 =	sadd.s32 $0x1A0, s13;
	s28 =	sadd.s32 $0x580, s14  }
0x4a: {  	[hbm4b:s29+s3] =	stream.linear.scatter [tilespmem:s28], [sflag:$0x1], $0x80, $0x38;
	[tilespmem:$0xA80] =	vst v63  }
0x4b: {  	s31 =	sadd.s32 $0x220, s13;
	s30 =	sadd.s32 $0x680, s14  }
0x4c: {  	[hbm4b:s31+s3] =	stream.linear.scatter [tilespmem:s30], [sflag:$0x1], $0x80, $0x38;
	[tilespmem:$0xA80] =	vst v63  }
0x4d: {  	s17 =	sadd.s32 $0x2A0, s13;
	s16 =	sadd.s32 $0x780, s14  }
0x4e: {  	[hbm4b:s17+s3] =	stream.linear.scatter [tilespmem:s16], [sflag:$0x1], $0x80, $0x38;
	[tilespmem:$0xA80] =	vst v63  }
0x4f: {  	s19 =	sadd.s32 $0x320, s13;
	s18 =	sadd.s32 $0x880, s14  }
0x50: {  	[hbm4b:s19+s3] =	stream.linear.scatter [tilespmem:s18], [sflag:$0x1], $0x80, $0x38;
	[tilespmem:$0xA80] =	vst v63  }
0x51: {  	s20 =	sadd.s32 $0x3A0, s13;
	s14 =	sadd.s32 $0x980, s14;
	s21 =	spop (v2sf)  }
0x52: {  	[hbm4b:s20+s3] =	stream.linear.scatter [tilespmem:s14], [sflag:$0x1], $0x80, $0x38;
	[tilespmem:$0xA80] =	vst v63  }
0x53: {  	s22 =	sshll.u32 s21, $0xA;
	s14 =	sshll.u32 s21, $0x7  }
0x54: {  	s15 =	sand.u32 $0xFFFFF800, s22;
	s14 =	sand.u32 $0x80, s14  }
0x55: {  	(v2sf) =	vpush v0, $0x4;
	s14 =	sor.u32 s14, s15  }
0x56: {  	s23 =	sadd.s32 $0x30, s13;
	s24 =	sadd.s32 $0x280, s14  }
0x57: {  	[hbm4b:s23+s3] =	stream.linear.scatter [tilespmem:s24], [sflag:$0x1], $0x80, $0x38;
	[tilespmem:$0xA80] =	vst v63  }
0x58: {  	s26 =	sadd.s32 $0xB0, s13;
	s25 =	sadd.s32 $0x380, s14  }
0x59: {  	[hbm4b:s26+s3] =	stream.linear.scatter [tilespmem:s25], [sflag:$0x1], $0x80, $0x38;
	[tilespmem:$0xA80] =	vst v63  }
0x5a: {  	s29 =	sadd.s32 $0x130, s13;
	s28 =	sadd.s32 $0x480, s14  }
0x5b: {  	[hbm4b:s29+s3] =	stream.linear.scatter [tilespmem:s28], [sflag:$0x1], $0x80, $0x38;
	[tilespmem:$0xA80] =	vst v63  }
0x5c: {  	s31 =	sadd.s32 $0x1B0, s13;
	s30 =	sadd.s32 $0x580, s14  }
0x5d: {  	[hbm4b:s31+s3] =	stream.linear.scatter [tilespmem:s30], [sflag:$0x1], $0x80, $0x38;
	[tilespmem:$0xA80] =	vst v63  }
0x5e: {  	s17 =	sadd.s32 $0x230, s13;
	s16 =	sadd.s32 $0x680, s14  }
0x5f: {  	[hbm4b:s17+s3] =	stream.linear.scatter [tilespmem:s16], [sflag:$0x1], $0x80, $0x38;
	[tilespmem:$0xA80] =	vst v63  }
0x60: {  	s19 =	sadd.s32 $0x2B0, s13;
	s18 =	sadd.s32 $0x780, s14  }
0x61: {  	[hbm4b:s19+s3] =	stream.linear.scatter [tilespmem:s18], [sflag:$0x1], $0x80, $0x38;
	[tilespmem:$0xA80] =	vst v63  }
0x62: {  	s21 =	sadd.s32 $0x330, s13;
	s20 =	sadd.s32 $0x880, s14  }
0x63: {  	[hbm4b:s21+s3] =	stream.linear.scatter [tilespmem:s20], [sflag:$0x1], $0x80, $0x38;
	[tilespmem:$0xA80] =	vst v63  }
0x64: {  	s22 =	sadd.s32 $0x3B0, s13;
	s14 =	sadd.s32 $0x980, s14;
	s23 =	spop (v2sf)  }
0x65: {  	[hbm4b:s22+s3] =	stream.linear.scatter [tilespmem:s14], [sflag:$0x1], $0x80, $0x38;
	[tilespmem:$0xA80] =	vst v63  }
0x66: {  	s24 =	sshll.u32 s23, $0xA;
	s14 =	sshll.u32 s23, $0x7  }
0x67: {  	s15 =	sand.u32 $0xFFFFF800, s24;
	s14 =	sand.u32 $0x80, s14  }
0x68: {  	(v2sf) =	vpush v0, $0x5;
	s14 =	sor.u32 s14, s15  }
0x69: {  	s25 =	sadd.s32 $0x40, s13;
	s26 =	sadd.s32 $0x280, s14  }
0x6a: {  	[hbm4b:s25+s3] =	stream.linear.scatter [tilespmem:s26], [sflag:$0x1], $0x80, $0x38;
	[tilespmem:$0xA80] =	vst v63  }
0x6b: {  	s29 =	sadd.s32 $0xC0, s13;
	s28 =	sadd.s32 $0x380, s14  }
0x6c: {  	[hbm4b:s29+s3] =	stream.linear.scatter [tilespmem:s28], [sflag:$0x1], $0x80, $0x38;
	[tilespmem:$0xA80] =	vst v63  }
0x6d: {  	s31 =	sadd.s32 $0x140, s13;
	s30 =	sadd.s32 $0x480, s14  }
0x6e: {  	[hbm4b:s31+s3] =	stream.linear.scatter [tilespmem:s30], [sflag:$0x1], $0x80, $0x38;
	[tilespmem:$0xA80] =	vst v63  }
0x6f: {  	s17 =	sadd.s32 $0x1C0, s13;
	s16 =	sadd.s32 $0x580, s14  }
0x70: {  	[hbm4b:s17+s3] =	stream.linear.scatter [tilespmem:s16], [sflag:$0x1], $0x80, $0x38;
	[tilespmem:$0xA80] =	vst v63  }
0x71: {  	s19 =	sadd.s32 $0x240, s13;
	s18 =	sadd.s32 $0x680, s14  }
0x72: {  	[hbm4b:s19+s3] =	stream.linear.scatter [tilespmem:s18], [sflag:$0x1], $0x80, $0x38;
	[tilespmem:$0xA80] =	vst v63  }
0x73: {  	s21 =	sadd.s32 $0x2C0, s13;
	s20 =	sadd.s32 $0x780, s14  }
0x74: {  	[hbm4b:s21+s3] =	stream.linear.scatter [tilespmem:s20], [sflag:$0x1], $0x80, $0x38;
	[tilespmem:$0xA80] =	vst v63  }
0x75: {  	s23 =	sadd.s32 $0x340, s13;
	s22 =	sadd.s32 $0x880, s14  }
0x76: {  	[hbm4b:s23+s3] =	stream.linear.scatter [tilespmem:s22], [sflag:$0x1], $0x80, $0x38;
	[tilespmem:$0xA80] =	vst v63  }
0x77: {  	s24 =	sadd.s32 $0x3C0, s13;
	s14 =	sadd.s32 $0x980, s14;
	s25 =	spop (v2sf)  }
0x78: {  	[hbm4b:s24+s3] =	stream.linear.scatter [tilespmem:s14], [sflag:$0x1], $0x80, $0x38;
	[tilespmem:$0xA80] =	vst v63  }
0x79: {  	s26 =	sshll.u32 s25, $0xA;
	s14 =	sshll.u32 s25, $0x7  }
0x7a: {  	s15 =	sand.u32 $0xFFFFF800, s26;
	s14 =	sand.u32 $0x80, s14  }
0x7b: {  	(v2sf) =	vpush v0, $0x6;
	s14 =	sor.u32 s14, s15  }
0x7c: {  	s28 =	sadd.s32 $0x50, s13;
	s29 =	sadd.s32 $0x280, s14  }
0x7d: {  	[hbm4b:s28+s3] =	stream.linear.scatter [tilespmem:s29], [sflag:$0x1], $0x80, $0x38;
	[tilespmem:$0xA80] =	vst v63  }
0x7e: {  	s31 =	sadd.s32 $0xD0, s13;
	s30 =	sadd.s32 $0x380, s14  }
0x7f: {  	[hbm4b:s31+s3] =	stream.linear.scatter [tilespmem:s30], [sflag:$0x1], $0x80, $0x38;
	[tilespmem:$0xA80] =	vst v63  }
0x80: {  	s17 =	sadd.s32 $0x150, s13;
	s16 =	sadd.s32 $0x480, s14  }
0x81: {  	[hbm4b:s17+s3] =	stream.linear.scatter [tilespmem:s16], [sflag:$0x1], $0x80, $0x38;
	[tilespmem:$0xA80] =	vst v63  }
0x82: {  	s19 =	sadd.s32 $0x1D0, s13;
	s18 =	sadd.s32 $0x580, s14  }
0x83: {  	[hbm4b:s19+s3] =	stream.linear.scatter [tilespmem:s18], [sflag:$0x1], $0x80, $0x38;
	[tilespmem:$0xA80] =	vst v63  }
0x84: {  	s21 =	sadd.s32 $0x250, s13;
	s20 =	sadd.s32 $0x680, s14  }
0x85: {  	[hbm4b:s21+s3] =	stream.linear.scatter [tilespmem:s20], [sflag:$0x1], $0x80, $0x38;
	[tilespmem:$0xA80] =	vst v63  }
0x86: {  	s23 =	sadd.s32 $0x2D0, s13;
	s22 =	sadd.s32 $0x780, s14  }
0x87: {  	[hbm4b:s23+s3] =	stream.linear.scatter [tilespmem:s22], [sflag:$0x1], $0x80, $0x38;
	[tilespmem:$0xA80] =	vst v63  }
0x88: {  	s25 =	sadd.s32 $0x350, s13;
	s24 =	sadd.s32 $0x880, s14  }
0x89: {  	[hbm4b:s25+s3] =	stream.linear.scatter [tilespmem:s24], [sflag:$0x1], $0x80, $0x38;
	[tilespmem:$0xA80] =	vst v63  }
0x8a: {  	s26 =	sadd.s32 $0x3D0, s13;
	s14 =	sadd.s32 $0x980, s14;
	s28 =	spop (v2sf)  }
0x8b: {  	[hbm4b:s26+s3] =	stream.linear.scatter [tilespmem:s14], [sflag:$0x1], $0x80, $0x38;
	[tilespmem:$0xA80] =	vst v63  }
0x8c: {  	s29 =	sshll.u32 s28, $0xA;
	s14 =	sshll.u32 s28, $0x7  }
0x8d: {  	s15 =	sand.u32 $0xFFFFF800, s29;
	s14 =	sand.u32 $0x80, s14  }
0x8e: {  	(v2sf) =	vpush v0, $0x7;
	s14 =	sor.u32 s14, s15  }
0x8f: {  	s30 =	sadd.s32 $0x60, s13;
	s31 =	sadd.s32 $0x280, s14  }
0x90: {  	[hbm4b:s30+s3] =	stream.linear.scatter [tilespmem:s31], [sflag:$0x1], $0x80, $0x38;
	[tilespmem:$0xA80] =	vst v63  }
0x91: {  	s17 =	sadd.s32 $0xE0, s13;
	s16 =	sadd.s32 $0x380, s14  }
0x92: {  	[hbm4b:s17+s3] =	stream.linear.scatter [tilespmem:s16], [sflag:$0x1], $0x80, $0x38;
	[tilespmem:$0xA80] =	vst v63  }
0x93: {  	s19 =	sadd.s32 $0x160, s13;
	s18 =	sadd.s32 $0x480, s14  }
0x94: {  	[hbm4b:s19+s3] =	stream.linear.scatter [tilespmem:s18], [sflag:$0x1], $0x80, $0x38;
	[tilespmem:$0xA80] =	vst v63  }
0x95: {  	s21 =	sadd.s32 $0x1E0, s13;
	s20 =	sadd.s32 $0x580, s14  }
0x96: {  	[hbm4b:s21+s3] =	stream.linear.scatter [tilespmem:s20], [sflag:$0x1], $0x80, $0x38;
	[tilespmem:$0xA80] =	vst v63  }
0x97: {  	s23 =	sadd.s32 $0x260, s13;
	s22 =	sadd.s32 $0x680, s14  }
0x98: {  	[hbm4b:s23+s3] =	stream.linear.scatter [tilespmem:s22], [sflag:$0x1], $0x80, $0x38;
	[tilespmem:$0xA80] =	vst v63  }
0x99: {  	s25 =	sadd.s32 $0x2E0, s13;
	s24 =	sadd.s32 $0x780, s14  }
0x9a: {  	[hbm4b:s25+s3] =	stream.linear.scatter [tilespmem:s24], [sflag:$0x1], $0x80, $0x38;
	[tilespmem:$0xA80] =	vst v63  }
0x9b: {  	s28 =	sadd.s32 $0x360, s13;
	s26 =	sadd.s32 $0x880, s14  }
0x9c: {  	[hbm4b:s28+s3] =	stream.linear.scatter [tilespmem:s26], [sflag:$0x1], $0x80, $0x38;
	[tilespmem:$0xA80] =	vst v63  }
0x9d: {  	s29 =	sadd.s32 $0x3E0, s13;
	s14 =	sadd.s32 $0x980, s14;
	s30 =	spop (v2sf)  }
0x9e: {  	[hbm4b:s29+s3] =	stream.linear.scatter [tilespmem:s14], [sflag:$0x1], $0x80, $0x38;
	[tilespmem:$0xA80] =	vst v63  }
0x9f: {  	s31 =	sshll.u32 s30, $0xA;
	s14 =	sshll.u32 s30, $0x7  }
0xa0: {  	s15 =	sand.u32 $0xFFFFF800, s31;
	s14 =	sand.u32 $0x80, s14  }
0xa1: {  	(v2sf) =	vpush v0, $0x8;
	s14 =	sor.u32 s14, s15  }
0xa2: {  	s16 =	sadd.s32 $0x70, s13;
	s17 =	sadd.s32 $0x280, s14  }
0xa3: {  	[hbm4b:s16+s3] =	stream.linear.scatter [tilespmem:s17], [sflag:$0x1], $0x80, $0x38;
	[tilespmem:$0xA80] =	vst v63  }
0xa4: {  	s19 =	sadd.s32 $0xF0, s13;
	s18 =	sadd.s32 $0x380, s14  }
0xa5: {  	[hbm4b:s19+s3] =	stream.linear.scatter [tilespmem:s18], [sflag:$0x1], $0x80, $0x38;
	[tilespmem:$0xA80] =	vst v63  }
0xa6: {  	s21 =	sadd.s32 $0x170, s13;
	s20 =	sadd.s32 $0x480, s14  }
0xa7: {  	[hbm4b:s21+s3] =	stream.linear.scatter [tilespmem:s20], [sflag:$0x1], $0x80, $0x38;
	[tilespmem:$0xA80] =	vst v63  }
0xa8: {  	s23 =	sadd.s32 $0x1F0, s13;
	s22 =	sadd.s32 $0x580, s14  }
0xa9: {  	[hbm4b:s23+s3] =	stream.linear.scatter [tilespmem:s22], [sflag:$0x1], $0x80, $0x38;
	[tilespmem:$0xA80] =	vst v63  }
0xaa: {  	s25 =	sadd.s32 $0x270, s13;
	s24 =	sadd.s32 $0x680, s14  }
0xab: {  	[hbm4b:s25+s3] =	stream.linear.scatter [tilespmem:s24], [sflag:$0x1], $0x80, $0x38;
	[tilespmem:$0xA80] =	vst v63  }
0xac: {  	s28 =	sadd.s32 $0x2F0, s13;
	s26 =	sadd.s32 $0x780, s14  }
0xad: {  	[hbm4b:s28+s3] =	stream.linear.scatter [tilespmem:s26], [sflag:$0x1], $0x80, $0x38;
	[tilespmem:$0xA80] =	vst v63  }
0xae: {  	s30 =	sadd.s32 $0x370, s13;
	s29 =	sadd.s32 $0x880, s14  }
0xaf: {  	[hbm4b:s30+s3] =	stream.linear.scatter [tilespmem:s29], [sflag:$0x1], $0x80, $0x38;
	[tilespmem:$0xA80] =	vst v63  }
0xb0: {  	s31 =	sadd.s32 $0x3F0, s13;
	s15 =	spop (v2sf);
	s14 =	sadd.s32 $0x980, s14  }
0xb1: {  	[hbm4b:s31+s3] =	stream.linear.scatter [tilespmem:s14], [sflag:$0x1], $0x80, $0x38;
	[tilespmem:$0xA80] =	vst v63  }
0xb2: {  	s16 =	sshll.u32 s15, $0xA;
	s14 =	sshll.u32 s15, $0x7  }
0xb3: {  	s15 =	sand.u32 $0xFFFFF800, s16;
	s14 =	sand.u32 $0x80, s14  }
0xb4: {  	(v2sf) =	vpush v0, $0x9;
	s14 =	sor.u32 s14, s15  }
0xb5: {  	s17 =	sadd.s32 $0x400, s13;
	s18 =	sadd.s32 $0x280, s14  }
0xb6: {  	[hbm4b:s17+s3] =	stream.linear.scatter [tilespmem:s18], [sflag:$0x1], $0x80, $0x38;
	[tilespmem:$0xA80] =	vst v63  }
0xb7: {  	s20 =	sadd.s32 $0x480, s13;
	s19 =	sadd.s32 $0x380, s14  }
0xb8: {  	[hbm4b:s20+s3] =	stream.linear.scatter [tilespmem:s19], [sflag:$0x1], $0x80, $0x38;
	[tilespmem:$0xA80] =	vst v63  }
0xb9: {  	s22 =	sadd.s32 $0x500, s13;
	s21 =	sadd.s32 $0x480, s14  }
0xba: {  	[hbm4b:s22+s3] =	stream.linear.scatter [tilespmem:s21], [sflag:$0x1], $0x80, $0x38;
	[tilespmem:$0xA80] =	vst v63  }
0xbb: {  	s24 =	sadd.s32 $0x580, s13;
	s23 =	sadd.s32 $0x580, s14  }
0xbc: {  	[hbm4b:s24+s3] =	stream.linear.scatter [tilespmem:s23], [sflag:$0x1], $0x80, $0x38;
	[tilespmem:$0xA80] =	vst v63  }
0xbd: {  	s26 =	sadd.s32 $0x600, s13;
	s25 =	sadd.s32 $0x680, s14  }
0xbe: {  	[hbm4b:s26+s3] =	stream.linear.scatter [tilespmem:s25], [sflag:$0x1], $0x80, $0x38;
	[tilespmem:$0xA80] =	vst v63  }
0xbf: {  	s29 =	sadd.s32 $0x680, s13;
	s28 =	sadd.s32 $0x780, s14  }
0xc0: {  	[hbm4b:s29+s3] =	stream.linear.scatter [tilespmem:s28], [sflag:$0x1], $0x80, $0x38;
	[tilespmem:$0xA80] =	vst v63  }
0xc1: {  	s31 =	sadd.s32 $0x700, s13;
	s30 =	sadd.s32 $0x880, s14  }
0xc2: {  	[hbm4b:s31+s3] =	stream.linear.scatter [tilespmem:s30], [sflag:$0x1], $0x80, $0x38;
	[tilespmem:$0xA80] =	vst v63  }
0xc3: {  	s16 =	sadd.s32 $0x780, s13;
	s14 =	sadd.s32 $0x980, s14;
	s17 =	spop (v2sf)  }
0xc4: {  	[hbm4b:s16+s3] =	stream.linear.scatter [tilespmem:s14], [sflag:$0x1], $0x80, $0x38;
	[tilespmem:$0xA80] =	vst v63  }
0xc5: {  	s18 =	sshll.u32 s17, $0xA;
	s14 =	sshll.u32 s17, $0x7  }
0xc6: {  	s15 =	sand.u32 $0xFFFFF800, s18;
	s14 =	sand.u32 $0x80, s14  }
0xc7: {  	(v2sf) =	vpush v0, $0xA;
	s14 =	sor.u32 s14, s15  }
0xc8: {  	s19 =	sadd.s32 $0x410, s13;
	s20 =	sadd.s32 $0x280, s14  }
0xc9: {  	[hbm4b:s19+s3] =	stream.linear.scatter [tilespmem:s20], [sflag:$0x1], $0x80, $0x38;
	[tilespmem:$0xA80] =	vst v63  }
0xca: {  	s22 =	sadd.s32 $0x490, s13;
	s21 =	sadd.s32 $0x380, s14  }
0xcb: {  	[hbm4b:s22+s3] =	stream.linear.scatter [tilespmem:s21], [sflag:$0x1], $0x80, $0x38;
	[tilespmem:$0xA80] =	vst v63  }
0xcc: {  	s24 =	sadd.s32 $0x510, s13;
	s23 =	sadd.s32 $0x480, s14  }
0xcd: {  	[hbm4b:s24+s3] =	stream.linear.scatter [tilespmem:s23], [sflag:$0x1], $0x80, $0x38;
	[tilespmem:$0xA80] =	vst v63  }
0xce: {  	s26 =	sadd.s32 $0x590, s13;
	s25 =	sadd.s32 $0x580, s14  }
0xcf: {  	[hbm4b:s26+s3] =	stream.linear.scatter [tilespmem:s25], [sflag:$0x1], $0x80, $0x38;
	[tilespmem:$0xA80] =	vst v63  }
0xd0: {  	s29 =	sadd.s32 $0x610, s13;
	s28 =	sadd.s32 $0x680, s14  }
0xd1: {  	[hbm4b:s29+s3] =	stream.linear.scatter [tilespmem:s28], [sflag:$0x1], $0x80, $0x38;
	[tilespmem:$0xA80] =	vst v63  }
0xd2: {  	s31 =	sadd.s32 $0x690, s13;
	s30 =	sadd.s32 $0x780, s14  }
0xd3: {  	[hbm4b:s31+s3] =	stream.linear.scatter [tilespmem:s30], [sflag:$0x1], $0x80, $0x38;
	[tilespmem:$0xA80] =	vst v63  }
0xd4: {  	s17 =	sadd.s32 $0x710, s13;
	s16 =	sadd.s32 $0x880, s14  }
0xd5: {  	[hbm4b:s17+s3] =	stream.linear.scatter [tilespmem:s16], [sflag:$0x1], $0x80, $0x38;
	[tilespmem:$0xA80] =	vst v63  }
0xd6: {  	s18 =	sadd.s32 $0x790, s13;
	s14 =	sadd.s32 $0x980, s14;
	s19 =	spop (v2sf)  }
0xd7: {  	[hbm4b:s18+s3] =	stream.linear.scatter [tilespmem:s14], [sflag:$0x1], $0x80, $0x38;
	[tilespmem:$0xA80] =	vst v63  }
0xd8: {  	s20 =	sshll.u32 s19, $0xA;
	s14 =	sshll.u32 s19, $0x7  }
0xd9: {  	s15 =	sand.u32 $0xFFFFF800, s20;
	s14 =	sand.u32 $0x80, s14  }
0xda: {  	(v2sf) =	vpush v0, $0xB;
	s14 =	sor.u32 s14, s15  }
0xdb: {  	s21 =	sadd.s32 $0x420, s13;
	s22 =	sadd.s32 $0x280, s14  }
0xdc: {  	[hbm4b:s21+s3] =	stream.linear.scatter [tilespmem:s22], [sflag:$0x1], $0x80, $0x38;
	[tilespmem:$0xA80] =	vst v63  }
0xdd: {  	s24 =	sadd.s32 $0x4A0, s13;
	s23 =	sadd.s32 $0x380, s14  }
0xde: {  	[hbm4b:s24+s3] =	stream.linear.scatter [tilespmem:s23], [sflag:$0x1], $0x80, $0x38;
	[tilespmem:$0xA80] =	vst v63  }
0xdf: {  	s26 =	sadd.s32 $0x520, s13;
	s25 =	sadd.s32 $0x480, s14  }
0xe0: {  	[hbm4b:s26+s3] =	stream.linear.scatter [tilespmem:s25], [sflag:$0x1], $0x80, $0x38;
	[tilespmem:$0xA80] =	vst v63  }
0xe1: {  	s29 =	sadd.s32 $0x5A0, s13;
	s28 =	sadd.s32 $0x580, s14  }
0xe2: {  	[hbm4b:s29+s3] =	stream.linear.scatter [tilespmem:s28], [sflag:$0x1], $0x80, $0x38;
	[tilespmem:$0xA80] =	vst v63  }
0xe3: {  	s31 =	sadd.s32 $0x620, s13;
	s30 =	sadd.s32 $0x680, s14  }
0xe4: {  	[hbm4b:s31+s3] =	stream.linear.scatter [tilespmem:s30], [sflag:$0x1], $0x80, $0x38;
	[tilespmem:$0xA80] =	vst v63  }
0xe5: {  	s17 =	sadd.s32 $0x6A0, s13;
	s16 =	sadd.s32 $0x780, s14  }
0xe6: {  	[hbm4b:s17+s3] =	stream.linear.scatter [tilespmem:s16], [sflag:$0x1], $0x80, $0x38;
	[tilespmem:$0xA80] =	vst v63  }
0xe7: {  	s19 =	sadd.s32 $0x720, s13;
	s18 =	sadd.s32 $0x880, s14  }
0xe8: {  	[hbm4b:s19+s3] =	stream.linear.scatter [tilespmem:s18], [sflag:$0x1], $0x80, $0x38;
	[tilespmem:$0xA80] =	vst v63  }
0xe9: {  	s20 =	sadd.s32 $0x7A0, s13;
	s14 =	sadd.s32 $0x980, s14;
	s21 =	spop (v2sf)  }
0xea: {  	[hbm4b:s20+s3] =	stream.linear.scatter [tilespmem:s14], [sflag:$0x1], $0x80, $0x38;
	[tilespmem:$0xA80] =	vst v63  }
0xeb: {  	s22 =	sshll.u32 s21, $0xA;
	s14 =	sshll.u32 s21, $0x7  }
0xec: {  	s15 =	sand.u32 $0xFFFFF800, s22;
	s14 =	sand.u32 $0x80, s14  }
0xed: {  	(v2sf) =	vpush v0, $0xC;
	s14 =	sor.u32 s14, s15  }
0xee: {  	s23 =	sadd.s32 $0x430, s13;
	s24 =	sadd.s32 $0x280, s14  }
0xef: {  	[hbm4b:s23+s3] =	stream.linear.scatter [tilespmem:s24], [sflag:$0x1], $0x80, $0x38;
	[tilespmem:$0xA80] =	vst v63  }
0xf0: {  	s26 =	sadd.s32 $0x4B0, s13;
	s25 =	sadd.s32 $0x380, s14  }
0xf1: {  	[hbm4b:s26+s3] =	stream.linear.scatter [tilespmem:s25], [sflag:$0x1], $0x80, $0x38;
	[tilespmem:$0xA80] =	vst v63  }
0xf2: {  	s29 =	sadd.s32 $0x530, s13;
	s28 =	sadd.s32 $0x480, s14  }
0xf3: {  	[hbm4b:s29+s3] =	stream.linear.scatter [tilespmem:s28], [sflag:$0x1], $0x80, $0x38;
	[tilespmem:$0xA80] =	vst v63  }
0xf4: {  	s31 =	sadd.s32 $0x5B0, s13;
	s30 =	sadd.s32 $0x580, s14  }
0xf5: {  	[hbm4b:s31+s3] =	stream.linear.scatter [tilespmem:s30], [sflag:$0x1], $0x80, $0x38;
	[tilespmem:$0xA80] =	vst v63  }
0xf6: {  	s17 =	sadd.s32 $0x630, s13;
	s16 =	sadd.s32 $0x680, s14  }
0xf7: {  	[hbm4b:s17+s3] =	stream.linear.scatter [tilespmem:s16], [sflag:$0x1], $0x80, $0x38;
	[tilespmem:$0xA80] =	vst v63  }
0xf8: {  	s19 =	sadd.s32 $0x6B0, s13;
	s18 =	sadd.s32 $0x780, s14  }
0xf9: {  	[hbm4b:s19+s3] =	stream.linear.scatter [tilespmem:s18], [sflag:$0x1], $0x80, $0x38;
	[tilespmem:$0xA80] =	vst v63  }
0xfa: {  	s21 =	sadd.s32 $0x730, s13;
	s20 =	sadd.s32 $0x880, s14  }
0xfb: {  	[hbm4b:s21+s3] =	stream.linear.scatter [tilespmem:s20], [sflag:$0x1], $0x80, $0x38;
	[tilespmem:$0xA80] =	vst v63  }
0xfc: {  	s22 =	sadd.s32 $0x7B0, s13;
	s14 =	sadd.s32 $0x980, s14;
	s23 =	spop (v2sf)  }
0xfd: {  	[hbm4b:s22+s3] =	stream.linear.scatter [tilespmem:s14], [sflag:$0x1], $0x80, $0x38;
	[tilespmem:$0xA80] =	vst v63  }
0xfe: {  	s24 =	sshll.u32 s23, $0xA;
	s14 =	sshll.u32 s23, $0x7  }
0xff: {  	s15 =	sand.u32 $0xFFFFF800, s24;
	s14 =	sand.u32 $0x80, s14  }
0x100: {  	(v2sf) =	vpush v0, $0xD;
	s14 =	sor.u32 s14, s15  }
0x101: {  	s25 =	sadd.s32 $0x440, s13;
	s26 =	sadd.s32 $0x280, s14  }
0x102: {  	[hbm4b:s25+s3] =	stream.linear.scatter [tilespmem:s26], [sflag:$0x1], $0x80, $0x38;
	[tilespmem:$0xA80] =	vst v63  }
0x103: {  	s29 =	sadd.s32 $0x4C0, s13;
	s28 =	sadd.s32 $0x380, s14  }
0x104: {  	[hbm4b:s29+s3] =	stream.linear.scatter [tilespmem:s28], [sflag:$0x1], $0x80, $0x38;
	[tilespmem:$0xA80] =	vst v63  }
0x105: {  	s31 =	sadd.s32 $0x540, s13;
	s30 =	sadd.s32 $0x480, s14  }
0x106: {  	[hbm4b:s31+s3] =	stream.linear.scatter [tilespmem:s30], [sflag:$0x1], $0x80, $0x38;
	[tilespmem:$0xA80] =	vst v63  }
0x107: {  	s17 =	sadd.s32 $0x5C0, s13;
	s16 =	sadd.s32 $0x580, s14  }
0x108: {  	[hbm4b:s17+s3] =	stream.linear.scatter [tilespmem:s16], [sflag:$0x1], $0x80, $0x38;
	[tilespmem:$0xA80] =	vst v63  }
0x109: {  	s19 =	sadd.s32 $0x640, s13;
	s18 =	sadd.s32 $0x680, s14  }
0x10a: {  	[hbm4b:s19+s3] =	stream.linear.scatter [tilespmem:s18], [sflag:$0x1], $0x80, $0x38;
	[tilespmem:$0xA80] =	vst v63  }
0x10b: {  	s21 =	sadd.s32 $0x6C0, s13;
	s20 =	sadd.s32 $0x780, s14  }
0x10c: {  	[hbm4b:s21+s3] =	stream.linear.scatter [tilespmem:s20], [sflag:$0x1], $0x80, $0x38;
	[tilespmem:$0xA80] =	vst v63  }
0x10d: {  	s23 =	sadd.s32 $0x740, s13;
	s22 =	sadd.s32 $0x880, s14  }
0x10e: {  	[hbm4b:s23+s3] =	stream.linear.scatter [tilespmem:s22], [sflag:$0x1], $0x80, $0x38;
	[tilespmem:$0xA80] =	vst v63  }
0x10f: {  	s24 =	sadd.s32 $0x7C0, s13;
	s14 =	sadd.s32 $0x980, s14;
	s25 =	spop (v2sf)  }
0x110: {  	[hbm4b:s24+s3] =	stream.linear.scatter [tilespmem:s14], [sflag:$0x1], $0x80, $0x38;
	[tilespmem:$0xA80] =	vst v63  }
0x111: {  	s26 =	sshll.u32 s25, $0xA;
	s14 =	sshll.u32 s25, $0x7  }
0x112: {  	s15 =	sand.u32 $0xFFFFF800, s26;
	s14 =	sand.u32 $0x80, s14  }
0x113: {  	(v2sf) =	vpush v0, $0xE;
	s14 =	sor.u32 s14, s15  }
0x114: {  	s28 =	sadd.s32 $0x450, s13;
	s29 =	sadd.s32 $0x280, s14  }
0x115: {  	[hbm4b:s28+s3] =	stream.linear.scatter [tilespmem:s29], [sflag:$0x1], $0x80, $0x38;
	[tilespmem:$0xA80] =	vst v63  }
0x116: {  	s31 =	sadd.s32 $0x4D0, s13;
	s30 =	sadd.s32 $0x380, s14  }
0x117: {  	[hbm4b:s31+s3] =	stream.linear.scatter [tilespmem:s30], [sflag:$0x1], $0x80, $0x38;
	[tilespmem:$0xA80] =	vst v63  }
0x118: {  	s17 =	sadd.s32 $0x550, s13;
	s16 =	sadd.s32 $0x480, s14  }
0x119: {  	[hbm4b:s17+s3] =	stream.linear.scatter [tilespmem:s16], [sflag:$0x1], $0x80, $0x38;
	[tilespmem:$0xA80] =	vst v63  }
0x11a: {  	s19 =	sadd.s32 $0x5D0, s13;
	s18 =	sadd.s32 $0x580, s14  }
0x11b: {  	[hbm4b:s19+s3] =	stream.linear.scatter [tilespmem:s18], [sflag:$0x1], $0x80, $0x38;
	[tilespmem:$0xA80] =	vst v63  }
0x11c: {  	s21 =	sadd.s32 $0x650, s13;
	s20 =	sadd.s32 $0x680, s14  }
0x11d: {  	[hbm4b:s21+s3] =	stream.linear.scatter [tilespmem:s20], [sflag:$0x1], $0x80, $0x38;
	[tilespmem:$0xA80] =	vst v63  }
0x11e: {  	s23 =	sadd.s32 $0x6D0, s13;
	s22 =	sadd.s32 $0x780, s14  }
0x11f: {  	[hbm4b:s23+s3] =	stream.linear.scatter [tilespmem:s22], [sflag:$0x1], $0x80, $0x38;
	[tilespmem:$0xA80] =	vst v63  }
0x120: {  	s25 =	sadd.s32 $0x750, s13;
	s24 =	sadd.s32 $0x880, s14  }
0x121: {  	[hbm4b:s25+s3] =	stream.linear.scatter [tilespmem:s24], [sflag:$0x1], $0x80, $0x38;
	[tilespmem:$0xA80] =	vst v63  }
0x122: {  	s26 =	sadd.s32 $0x7D0, s13;
	s14 =	sadd.s32 $0x980, s14;
	s28 =	spop (v2sf)  }
0x123: {  	[hbm4b:s26+s3] =	stream.linear.scatter [tilespmem:s14], [sflag:$0x1], $0x80, $0x38;
	[tilespmem:$0xA80] =	vst v63  }
0x124: {  	s29 =	sshll.u32 s28, $0xA;
	s14 =	sshll.u32 s28, $0x7  }
0x125: {  	s15 =	sand.u32 $0xFFFFF800, s29;
	s14 =	sand.u32 $0x80, s14  }
0x126: {  	(v2sf) =	vpush v0, $0xF;
	s14 =	sor.u32 s14, s15  }
0x127: {  	s30 =	sadd.s32 $0x460, s13;
	s31 =	sadd.s32 $0x280, s14  }
0x128: {  	[hbm4b:s30+s3] =	stream.linear.scatter [tilespmem:s31], [sflag:$0x1], $0x80, $0x38;
	[tilespmem:$0xA80] =	vst v63  }
0x129: {  	s17 =	sadd.s32 $0x4E0, s13;
	s16 =	sadd.s32 $0x380, s14  }
0x12a: {  	[hbm4b:s17+s3] =	stream.linear.scatter [tilespmem:s16], [sflag:$0x1], $0x80, $0x38;
	[tilespmem:$0xA80] =	vst v63  }
0x12b: {  	s19 =	sadd.s32 $0x560, s13;
	s18 =	sadd.s32 $0x480, s14  }
0x12c: {  	[hbm4b:s19+s3] =	stream.linear.scatter [tilespmem:s18], [sflag:$0x1], $0x80, $0x38;
	[tilespmem:$0xA80] =	vst v63  }
0x12d: {  	s21 =	sadd.s32 $0x5E0, s13;
	s20 =	sadd.s32 $0x580, s14  }
0x12e: {  	[hbm4b:s21+s3] =	stream.linear.scatter [tilespmem:s20], [sflag:$0x1], $0x80, $0x38;
	[tilespmem:$0xA80] =	vst v63  }
0x12f: {  	s23 =	sadd.s32 $0x660, s13;
	s22 =	sadd.s32 $0x680, s14  }
0x130: {  	[hbm4b:s23+s3] =	stream.linear.scatter [tilespmem:s22], [sflag:$0x1], $0x80, $0x38;
	[tilespmem:$0xA80] =	vst v63  }
0x131: {  	s25 =	sadd.s32 $0x6E0, s13;
	s24 =	sadd.s32 $0x780, s14  }
0x132: {  	[hbm4b:s25+s3] =	stream.linear.scatter [tilespmem:s24], [sflag:$0x1], $0x80, $0x38;
	[tilespmem:$0xA80] =	vst v63  }
0x133: {  	s28 =	sadd.s32 $0x760, s13;
	s26 =	sadd.s32 $0x880, s14  }
0x134: {  	[hbm4b:s28+s3] =	stream.linear.scatter [tilespmem:s26], [sflag:$0x1], $0x80, $0x38;
	[tilespmem:$0xA80] =	vst v63  }
0x135: {  	s29 =	sadd.s32 $0x7E0, s13;
	s14 =	sadd.s32 $0x980, s14;
	s30 =	spop (v2sf)  }
0x136: {  	[hbm4b:s29+s3] =	stream.linear.scatter [tilespmem:s14], [sflag:$0x1], $0x80, $0x38;
	[tilespmem:$0xA80] =	vst v63  }
0x137: {  	s31 =	sshll.u32 s30, $0xA;
	s14 =	sshll.u32 s30, $0x7  }
0x138: {  	s15 =	sand.u32 $0xFFFFF800, s31;
	s14 =	sand.u32 $0x80, s14  }
0x139: {  	s14 =	sor.u32 s14, s15  }
0x13a: {  	s16 =	sadd.s32 $0x470, s13;
	s17 =	sadd.s32 $0x280, s14  }
0x13b: {  	[hbm4b:s16+s3] =	stream.linear.scatter [tilespmem:s17], [sflag:$0x1], $0x80, $0x38;
	[tilespmem:$0xA80] =	vst v63  }
0x13c: {  	s19 =	sadd.s32 $0x4F0, s13;
	s18 =	sadd.s32 $0x380, s14  }
0x13d: {  	[hbm4b:s19+s3] =	stream.linear.scatter [tilespmem:s18], [sflag:$0x1], $0x80, $0x38;
	[tilespmem:$0xA80] =	vst v63  }
0x13e: {  	s21 =	sadd.s32 $0x570, s13;
	s20 =	sadd.s32 $0x480, s14  }
0x13f: {  	[hbm4b:s21+s3] =	stream.linear.scatter [tilespmem:s20], [sflag:$0x1], $0x80, $0x38;
	[tilespmem:$0xA80] =	vst v63  }
0x140: {  	s12 =	sadd.s32 $0x800, s12;
	s23 =	sadd.s32 $0x5F0, s13;
	s22 =	sadd.s32 $0x580, s14  }
0x141: {  	[hbm4b:s23+s3] =	stream.linear.scatter [tilespmem:s22], [sflag:$0x1], $0x80, $0x38;
	[tilespmem:$0xA80] =	vst v63  }
0x142: {  	s31 =	rddreg [dreg:$0x5];
	s25 =	sadd.s32 $0x670, s13;
	s24 =	sadd.s32 $0x680, s14  }
0x143: {  	[hbm4b:s25+s3] =	stream.linear.scatter [tilespmem:s24], [sflag:$0x1], $0x80, $0x38;
	[tilespmem:$0xA80] =	vst v63  }
0x144: {  	p1 =	sne.s32 s31, s12;
	s28 =	sadd.s32 $0x6F0, s13;
	s26 =	sadd.s32 $0x780, s14  }
0x145: {  	[hbm4b:s28+s3] =	stream.linear.scatter [tilespmem:s26], [sflag:$0x1], $0x80, $0x38;
	[tilespmem:$0xA80] =	vst v63  }
.Ltmp0:
0x146: {  	_ = 	snop;
	(pc) =	sbr.rel @p1 .LBB2_2-.Ltmp0, $4  }
0x147: {  	s30 =	sadd.s32 $0x770, s13;
	s29 =	sadd.s32 $0x880, s14  }
0x148: {  	[hbm4b:s30+s3] =	stream.linear.scatter [tilespmem:s29], [sflag:$0x1], $0x80, $0x38;
	[tilespmem:$0xA80] =	vst v63  }
0x149: {  	s11 =	sadd.s32 $0x10, s11;
	s13 =	sadd.s32 $0x7F0, s13;
	s14 =	sadd.s32 $0x980, s14  }
0x14a: {  	[hbm4b:s13+s3] =	stream.linear.scatter [tilespmem:s14], [sflag:$0x1], $0x80, $0x38;
	[tilespmem:$0xA80] =	vst v63  }
0x14b: {  	s10 =	sadd.s32 $0x1, s10  }
0x14c: {  	_ =	swait.ge [sflag:s9], $0xF000;
	p1 =	sne.s32 s10, s5  }
.Ltmp1:
0x14d: {  	[sflag:s9] =	ssyncset.done $0x0;
	(pc) =	sbr.rel @p1 .LBB2_1-.Ltmp1, $4  }
0x14e: {  	s11 =	simm.s32 @!p0 $0x1;
	[sflag:s9] =	ssyncadd.s32 $0xFFFF1000  }
0x14f: {  	_ =	swait.ge @!p0 [sflag:s11], $0x2000  }
0x150: {  	[sflag:s11] =	ssyncset.done @!p0 $0x0  }
0x151: {  	[sflag:s11] =	ssyncadd.s32 @!p0 $0xFFFFE000  }
0x152: {  	_ =	sfence.sel $0x180000  }
0x153: {  	[bflag:$0x0] =	sbarrier.arrive $0xFFFF  }
0x154: {  	p0 =	sne.s32 s0, $0x0;
	_ =	strace $0x90000047  }
0x155: {  	s0 =	sadd.s32 @!p0 $0x100000, s1;
	[bflag:$0x2] =	sbarrier.arrive $0xFFFF  }
0x156: {  	[sflag:s0] =	ssyncadd.tile.s32 @!p0 $0x1;
	_ =	shalt  }
.Lfunc_end2:
_tile_overlayer_lowered:
.L_overlay_start_2:
0x157: {  	(tag) =	ssettag $0x2  }
0x158: {  	s0 =	rddreg [dreg:$0x0];
	s2 =	stileid.u32  }
0x159: {  	s1 =	rddreg [dreg:$0x1];
	p0 =	sne.s32 s2, $0x0  }
0x15a: {  	s3 =	rddreg [dreg:$0x2];
	[bflag:$0x3] =	sbarrier.arrive $0xFFFF;
	s2 =	simm.s32 @!p0 $0x1C04  }
0x15b: {  	[timem:s3], [sflag:s2] =	dma.local @!p0 [hbm:s0], s1  }
0x15c: {  	s0 =	simm.s32 @!p0 $0x4  }
0x15d: {  	_ =	swait.ge @!p0 [sflag:s0], s1  }
0x15e: {  	s1 =	ssub.s32 @!p0 $0x0, s1;
	[sflag:s0] =	ssyncset.done @!p0 $0x0  }
0x15f: {  	[sflag:s0] =	ssyncadd.s32 @!p0 s1  }
0x160: {  	[bflag:$0x3] =	sbarrier.arrive $0xFFFF  }
0x161: {  	_ =	shalt  }

</sc_bundles>
